<compile_context>
chip_gen: v7x
topology: tpu7x:2x2x1
jax: 0.10.2.dev20260603
libtpu: 0.0.44.dev20260713+nightly
codegen_flags: <defaults>
</compile_context>

<pallas_src>
import functools

import jax
import jax.numpy as jnp
import numpy as np
from jax import lax
from jax.experimental import pallas as pl
from jax.experimental.pallas import tpu as pltpu
from jax.experimental.pallas import tpu_sc as plsc

VOCAB = 1000000
D = 64
B = 4096
L = 200
SCALE = 8.0

NC = 2
NS = 16
NW = NC * NS
BBLK = B // NW
TOTAL = B * L
XROWS = TOTAL // 128
XR_PER_W = XROWS // NW
OPAD = 133


def _embed_body(
    x_hbm, tab_hbm, out_hbm,
    xb, pb0, pb1, gb0, gb1, ob0, ob1,
    gs0, gs1, os0, os1,
):
    c = lax.axis_index("c")
    s = lax.axis_index("s")
    w = s * NC + c
    lanes = lax.iota(jnp.int32, 16)
    pbufs, gbufs, obufs = (pb0, pb1), (gb0, gb1), (ob0, ob1)
    gsems, osems = (gs0, gs1), (os0, os1)

    d_hi = [(16 * k + lanes) >> 3 for k in range(4)]
    d_lo = [(16 * k + lanes) & 7 for k in range(4)]

    pltpu.sync_copy(x_hbm.at[pl.ds(w * XR_PER_W, XR_PER_W)], xb)

    def stage(l, pb):
        for sg in range(8):
            t = (sg * 16 + lanes) * L + l
            pb[pl.ds(sg * 16, 16)] = plsc.load_gather(xb, [t >> 7, t & 127])

    stage(0, pb0)
    pltpu.async_copy(tab_hbm.at[pb0], gb0, gs0)

    def outer(i, carry):
        for par in range(2):
            l = i * 2 + par
            pb, gb, ob = pbufs[par], gbufs[par], obufs[par]
            pltpu.make_async_copy(tab_hbm.at[pb], gb, gsems[par]).wait()

            @pl.when(l < L - 1)
            def _():
                stage(l + 1, pbufs[1 - par])
                pltpu.async_copy(
                    tab_hbm.at[pbufs[1 - par]], gbufs[1 - par], gsems[1 - par]
                )

            @pl.when(l >= 2)
            def _():
                pltpu.make_async_copy(
                    ob.at[:, :, pl.ds(0, BBLK)], out_hbm.at[l, :, w], osems[par]
                ).wait()

            @plsc.parallel_loop(0, BBLK, unroll=4)
            def _(j):
                col = jnp.full((16,), j, jnp.int32)
                for k in range(4):
                    v = gb[j, pl.ds(k * 16, 16)]
                    plsc.store_scatter(ob, [d_hi[k], d_lo[k], col], v * SCALE)
            pltpu.async_copy(
                ob.at[:, :, pl.ds(0, BBLK)], out_hbm.at[l, :, w], osems[par]
            )
        return carry

    lax.fori_loop(0, L // 2, outer, 0)
    pltpu.make_async_copy(
        ob0.at[:, :, pl.ds(0, BBLK)], out_hbm.at[L - 2, :, w], os0
    ).wait()
    pltpu.make_async_copy(
        ob1.at[:, :, pl.ds(0, BBLK)], out_hbm.at[L - 1, :, w], os1
    ).wait()


@jax.jit
def _embed(x2d, tpad):
    mesh = plsc.VectorSubcoreMesh(
        core_axis_name="c", subcore_axis_name="s", num_cores=NC, num_subcores=NS
    )
    return pl.kernel(
        _embed_body,
        out_type=jax.ShapeDtypeStruct((L, 8, NW, 8, BBLK), jnp.float32),
        mesh=mesh,
        scratch_types=[
            pltpu.VMEM((XR_PER_W, 128), jnp.int32),
            pltpu.VMEM((128,), jnp.int32),
            pltpu.VMEM((128,), jnp.int32),
            pltpu.VMEM((128, 128), jnp.float32),
            pltpu.VMEM((128, 128), jnp.float32),
            pltpu.VMEM((8, 8, OPAD), jnp.float32),
            pltpu.VMEM((8, 8, OPAD), jnp.float32),
            pltpu.SemaphoreType.DMA,
            pltpu.SemaphoreType.DMA,
            pltpu.SemaphoreType.DMA,
            pltpu.SemaphoreType.DMA,
        ],
        compiler_params=pltpu.CompilerParams(needs_layout_passes=False),
    )(x2d, tpad)


def kernel(x, table):
    x2d = x.astype(jnp.int32).reshape(XROWS, 128)
    tpad = jnp.pad(table, ((0, 0), (0, 128 - D)))
    out5d = _embed(x2d, tpad)
    return out5d.transpose(2, 4, 0, 1, 3).reshape(B, L, D)

# --- scband reference (transcript-rebuilt; emitter-appended) ---
"""Pipeline reference for scband-embedding-74234214744133 (READ-ONLY COPY).

The authoritative reference and input builder live on the scoring server;
editing this copy changes nothing except your own understanding.
"""

import jax, jax.numpy as jnp
import numpy as np
import math

VOCAB = 1000000
D_MODEL = 64
B = 4096
L = 200

def setup_inputs(seed: int = 0) -> dict:
    key = jax.random.key(seed)
    k1, k2 = jax.random.split(key)
    x = jax.random.randint(k1, (B, L), 0, VOCAB, dtype=jnp.int64 if jax.config.jax_enable_x64 else jnp.int32)
    table = jax.random.normal(k2, (VOCAB, D_MODEL), dtype=jnp.float32) * 0.02
    return {"x": x, "table": table}

def reference(x, table):
    # Embedding lookup followed by sqrt(d_model) scaling, faithful to the keras module.
    embedded = jnp.take(table, x, axis=0) * math.sqrt(D_MODEL)
    return embedded

if __name__ == "__main__":
    import jax
    _d = setup_inputs()
    print(jax.jit(kernel)(*tuple(_d.values())))

</pallas_src>

<mosaic_0001>
#map = affine_map<(d0, d1) -> (0, 0)>
#map1 = affine_map<(d0, d1) -> (0, 0, 0, 0, 0)>
module attributes {stable_mosaic.version = 14 : i64} {
  func.func @_embed_body(%arg0: i32, %arg1: i32, %arg2: memref<6400x128xi32, #tpu.memory_space<hbm>>, %arg3: memref<1000000x128xf32, #tpu.memory_space<hbm>>, %arg4: memref<200x8x32x8x128xf32, #tpu.memory_space<hbm>>, %arg5: memref<200x128xi32, #tpu.memory_space<vmem>>, %arg6: memref<128xi32, #tpu.memory_space<vmem>>, %arg7: memref<128xi32, #tpu.memory_space<vmem>>, %arg8: memref<128x128xf32, #tpu.memory_space<vmem>>, %arg9: memref<128x128xf32, #tpu.memory_space<vmem>>, %arg10: memref<8x8x133xf32, #tpu.memory_space<vmem>>, %arg11: memref<8x8x133xf32, #tpu.memory_space<vmem>>, %arg12: memref<!tpu.dma_semaphore, #tpu.memory_space<semaphore_mem>>, %arg13: memref<!tpu.dma_semaphore, #tpu.memory_space<semaphore_mem>>, %arg14: memref<!tpu.dma_semaphore, #tpu.memory_space<semaphore_mem>>, %arg15: memref<!tpu.dma_semaphore, #tpu.memory_space<semaphore_mem>>) attributes {dimension_semantics = [#tpu.dimension_semantics<core_parallel>, #tpu.dimension_semantics<subcore_parallel>], iteration_bounds = array<i64: 2, 16>, scalar_prefetch = 0 : i64, scratch_operands = 11 : i64, tpu.core_type = #tpu.core_type<sc_vector_subcore>, window_params = [{transform_indices = #map}, {transform_indices = #map}, {transform_indices = #map1}]} {
    %mul3A = arith.constant 2 : i32
    %mul3A_0 = arith.muli %arg1, %mul3A : i32
    %add3A = arith.addi %mul3A_0, %arg0 : i32
    %iota3A = tpu.iota {dimensions = array<i32: 0>} : vector<16xi32>
    %add3A_1 = arith.constant 0 : i32
    %add3A_2 = vector.broadcast %add3A_1 : i32 to vector<16xi32>
    %add3A_3 = arith.addi %add3A_2, %iota3A : vector<16xi32>
    %shift_right_arithmetic3A = arith.constant 3 : i32
    %shift_right_arithmetic3A_4 = vector.broadcast %shift_right_arithmetic3A : i32 to vector<16xi32>
    %shift_right_arithmetic3A_5 = arith.shrsi %add3A_3, %shift_right_arithmetic3A_4 : vector<16xi32>
    %add3A_6 = arith.constant 16 : i32
    %add3A_7 = vector.broadcast %add3A_6 : i32 to vector<16xi32>
    %add3A_8 = arith.addi %add3A_7, %iota3A : vector<16xi32>
    %shift_right_arithmetic3A_9 = arith.constant 3 : i32
    %shift_right_arithmetic3A_10 = vector.broadcast %shift_right_arithmetic3A_9 : i32 to vector<16xi32>
    %shift_right_arithmetic3A_11 = arith.shrsi %add3A_8, %shift_right_arithmetic3A_10 : vector<16xi32>
    %add3A_12 = arith.constant 32 : i32
    %add3A_13 = vector.broadcast %add3A_12 : i32 to vector<16xi32>
    %add3A_14 = arith.addi %add3A_13, %iota3A : vector<16xi32>
    %shift_right_arithmetic3A_15 = arith.constant 3 : i32
    %shift_right_arithmetic3A_16 = vector.broadcast %shift_right_arithmetic3A_15 : i32 to vector<16xi32>
    %shift_right_arithmetic3A_17 = arith.shrsi %add3A_14, %shift_right_arithmetic3A_16 : vector<16xi32>
    %add3A_18 = arith.constant 48 : i32
    %add3A_19 = vector.broadcast %add3A_18 : i32 to vector<16xi32>
    %add3A_20 = arith.addi %add3A_19, %iota3A : vector<16xi32>
    %shift_right_arithmetic3A_21 = arith.constant 3 : i32
    %shift_right_arithmetic3A_22 = vector.broadcast %shift_right_arithmetic3A_21 : i32 to vector<16xi32>
    %shift_right_arithmetic3A_23 = arith.shrsi %add3A_20, %shift_right_arithmetic3A_22 : vector<16xi32>
    %add3A_24 = arith.constant 0 : i32
    %add3A_25 = vector.broadcast %add3A_24 : i32 to vector<16xi32>
    %add3A_26 = arith.addi %add3A_25, %iota3A : vector<16xi32>
    %and3A = arith.constant 7 : i32
    %and3A_27 = vector.broadcast %and3A : i32 to vector<16xi32>
    %and3A_28 = arith.andi %add3A_26, %and3A_27 : vector<16xi32>
    %add3A_29 = arith.constant 16 : i32
    %add3A_30 = vector.broadcast %add3A_29 : i32 to vector<16xi32>
    %add3A_31 = arith.addi %add3A_30, %iota3A : vector<16xi32>
    %and3A_32 = arith.constant 7 : i32
    %and3A_33 = vector.broadcast %and3A_32 : i32 to vector<16xi32>
    %and3A_34 = arith.andi %add3A_31, %and3A_33 : vector<16xi32>
    %add3A_35 = arith.constant 32 : i32
    %add3A_36 = vector.broadcast %add3A_35 : i32 to vector<16xi32>
    %add3A_37 = arith.addi %add3A_36, %iota3A : vector<16xi32>
    %and3A_38 = arith.constant 7 : i32
    %and3A_39 = vector.broadcast %and3A_38 : i32 to vector<16xi32>
    %and3A_40 = arith.andi %add3A_37, %and3A_39 : vector<16xi32>
    %add3A_41 = arith.constant 48 : i32
    %add3A_42 = vector.broadcast %add3A_41 : i32 to vector<16xi32>
    %add3A_43 = arith.addi %add3A_42, %iota3A : vector<16xi32>
    %and3A_44 = arith.constant 7 : i32
    %and3A_45 = vector.broadcast %and3A_44 : i32 to vector<16xi32>
    %and3A_46 = arith.andi %add3A_43, %and3A_45 : vector<16xi32>
    %mul3A_47 = arith.constant 200 : i32
    %mul3A_48 = arith.muli %add3A, %mul3A_47 : i32
    "tpu.region"() ({
      %run_scoped3A = tpu.sem_alloc : memref<!tpu.dma_semaphore, #tpu.memory_space<semaphore_mem>>
      %dma_start3A_235 = arith.constant 0 : i32
      %dma_start3A_236 = tpu.memref_slice %arg2[%mul3A_48, %dma_start3A_235] : memref<6400x128xi32, #tpu.memory_space<hbm>> -> memref<200x128xi32, #tpu.memory_space<hbm>>
      %dma_start3A_237 = arith.constant 0 : i32
      %dma_start3A_238 = tpu.memref_slice %arg2[%mul3A_48, %dma_start3A_237] : memref<6400x128xi32, #tpu.memory_space<hbm>> -> memref<200x128xi32, #tpu.memory_space<hbm>>
      tpu.enqueue_dma source(%dma_start3A_238 : memref<200x128xi32, #tpu.memory_space<hbm>>) target(%arg5 : memref<200x128xi32, #tpu.memory_space<vmem>>) target_semaphore(%run_scoped3A : memref<!tpu.dma_semaphore, #tpu.memory_space<semaphore_mem>>)
      %dma_wait3A_239 = arith.constant 0 : i32
      %dma_wait3A_240 = tpu.memref_slice %arg2[%mul3A_48, %dma_wait3A_239] : memref<6400x128xi32, #tpu.memory_space<hbm>> -> memref<200x128xi32, #tpu.memory_space<hbm>>
      %dma_wait3A_241 = arith.constant 0 : i32
      %dma_wait3A_242 = tpu.memref_slice %arg2[%mul3A_48, %dma_wait3A_241] : memref<6400x128xi32, #tpu.memory_space<hbm>> -> memref<200x128xi32, #tpu.memory_space<hbm>>
      tpu.wait_dma2 semaphore(%run_scoped3A : memref<!tpu.dma_semaphore, #tpu.memory_space<semaphore_mem>>) src(%dma_wait3A_242 : memref<200x128xi32, #tpu.memory_space<hbm>>) dst(%arg5 : memref<200x128xi32, #tpu.memory_space<vmem>>)
      tpu.yield
    }) : () -> ()
    %add3A_49 = arith.constant 0 : i32
    %add3A_50 = vector.broadcast %add3A_49 : i32 to vector<16xi32>
    %add3A_51 = arith.addi %add3A_50, %iota3A : vector<16xi32>
    %mul3A_52 = arith.constant 200 : i32
    %mul3A_53 = vector.broadcast %mul3A_52 : i32 to vector<16xi32>
    %mul3A_54 = arith.muli %add3A_51, %mul3A_53 : vector<16xi32>
    %add3A_55 = arith.constant 0 : i32
    %add3A_56 = vector.broadcast %add3A_55 : i32 to vector<16xi32>
    %add3A_57 = arith.addi %mul3A_54, %add3A_56 : vector<16xi32>
    %shift_right_arithmetic3A_58 = arith.constant 7 : i32
    %shift_right_arithmetic3A_59 = vector.broadcast %shift_right_arithmetic3A_58 : i32 to vector<16xi32>
    %shift_right_arithmetic3A_60 = arith.shrsi %add3A_57, %shift_right_arithmetic3A_59 : vector<16xi32>
    %and3A_61 = arith.constant 127 : i32
    %and3A_62 = vector.broadcast %and3A_61 : i32 to vector<16xi32>
    %and3A_63 = arith.andi %add3A_57, %and3A_62 : vector<16xi32>
    %gather3A = tpu.vector_load_idx %arg5[%shift_right_arithmetic3A_60, %and3A_63] : memref<200x128xi32, #tpu.memory_space<vmem>>[vector<16xi32>, vector<16xi32>], vector<16xi32>,
    %swap3A = arith.constant 0 : index
    %swap3A_64 = tpu.vector_load %arg6[%swap3A] {strides = array<i32>} : memref<128xi32, #tpu.memory_space<vmem>>, vector<16xi32>,
    tpu.vector_store %arg6[%swap3A], %gather3A {strides = array<i32>} : memref<128xi32, #tpu.memory_space<vmem>>, vector<16xi32>,
    %add3A_65 = arith.constant 16 : i32
    %add3A_66 = vector.broadcast %add3A_65 : i32 to vector<16xi32>
    %add3A_67 = arith.addi %add3A_66, %iota3A : vector<16xi32>
    %mul3A_68 = arith.constant 200 : i32
    %mul3A_69 = vector.broadcast %mul3A_68 : i32 to vector<16xi32>
    %mul3A_70 = arith.muli %add3A_67, %mul3A_69 : vector<16xi32>
    %add3A_71 = arith.constant 0 : i32
    %add3A_72 = vector.broadcast %add3A_71 : i32 to vector<16xi32>
    %add3A_73 = arith.addi %mul3A_70, %add3A_72 : vector<16xi32>
    %shift_right_arithmetic3A_74 = arith.constant 7 : i32
    %shift_right_arithmetic3A_75 = vector.broadcast %shift_right_arithmetic3A_74 : i32 to vector<16xi32>
    %shift_right_arithmetic3A_76 = arith.shrsi %add3A_73, %shift_right_arithmetic3A_75 : vector<16xi32>
    %and3A_77 = arith.constant 127 : i32
    %and3A_78 = vector.broadcast %and3A_77 : i32 to vector<16xi32>
    %and3A_79 = arith.andi %add3A_73, %and3A_78 : vector<16xi32>
    %gather3A_80 = tpu.vector_load_idx %arg5[%shift_right_arithmetic3A_76, %and3A_79] : memref<200x128xi32, #tpu.memory_space<vmem>>[vector<16xi32>, vector<16xi32>], vector<16xi32>,
    %swap3A_81 = arith.constant 16 : index
    %swap3A_82 = tpu.vector_load %arg6[%swap3A_81] {strides = array<i32>} : memref<128xi32, #tpu.memory_space<vmem>>, vector<16xi32>,
    tpu.vector_store %arg6[%swap3A_81], %gather3A_80 {strides = array<i32>} : memref<128xi32, #tpu.memory_space<vmem>>, vector<16xi32>,
    %add3A_83 = arith.constant 32 : i32
    %add3A_84 = vector.broadcast %add3A_83 : i32 to vector<16xi32>
    %add3A_85 = arith.addi %add3A_84, %iota3A : vector<16xi32>
    %mul3A_86 = arith.constant 200 : i32
    %mul3A_87 = vector.broadcast %mul3A_86 : i32 to vector<16xi32>
    %mul3A_88 = arith.muli %add3A_85, %mul3A_87 : vector<16xi32>
    %add3A_89 = arith.constant 0 : i32
    %add3A_90 = vector.broadcast %add3A_89 : i32 to vector<16xi32>
    %add3A_91 = arith.addi %mul3A_88, %add3A_90 : vector<16xi32>
    %shift_right_arithmetic3A_92 = arith.constant 7 : i32
    %shift_right_arithmetic3A_93 = vector.broadcast %shift_right_arithmetic3A_92 : i32 to vector<16xi32>
    %shift_right_arithmetic3A_94 = arith.shrsi %add3A_91, %shift_right_arithmetic3A_93 : vector<16xi32>
    %and3A_95 = arith.constant 127 : i32
    %and3A_96 = vector.broadcast %and3A_95 : i32 to vector<16xi32>
    %and3A_97 = arith.andi %add3A_91, %and3A_96 : vector<16xi32>
    %gather3A_98 = tpu.vector_load_idx %arg5[%shift_right_arithmetic3A_94, %and3A_97] : memref<200x128xi32, #tpu.memory_space<vmem>>[vector<16xi32>, vector<16xi32>], vector<16xi32>,
    %swap3A_99 = arith.constant 32 : index
    %swap3A_100 = tpu.vector_load %arg6[%swap3A_99] {strides = array<i32>} : memref<128xi32, #tpu.memory_space<vmem>>, vector<16xi32>,
    tpu.vector_store %arg6[%swap3A_99], %gather3A_98 {strides = array<i32>} : memref<128xi32, #tpu.memory_space<vmem>>, vector<16xi32>,
    %add3A_101 = arith.constant 48 : i32
    %add3A_102 = vector.broadcast %add3A_101 : i32 to vector<16xi32>
    %add3A_103 = arith.addi %add3A_102, %iota3A : vector<16xi32>
    %mul3A_104 = arith.constant 200 : i32
    %mul3A_105 = vector.broadcast %mul3A_104 : i32 to vector<16xi32>
    %mul3A_106 = arith.muli %add3A_103, %mul3A_105 : vector<16xi32>
    %add3A_107 = arith.constant 0 : i32
    %add3A_108 = vector.broadcast %add3A_107 : i32 to vector<16xi32>
    %add3A_109 = arith.addi %mul3A_106, %add3A_108 : vector<16xi32>
    %shift_right_arithmetic3A_110 = arith.constant 7 : i32
    %shift_right_arithmetic3A_111 = vector.broadcast %shift_right_arithmetic3A_110 : i32 to vector<16xi32>
    %shift_right_arithmetic3A_112 = arith.shrsi %add3A_109, %shift_right_arithmetic3A_111 : vector<16xi32>
    %and3A_113 = arith.constant 127 : i32
    %and3A_114 = vector.broadcast %and3A_113 : i32 to vector<16xi32>
    %and3A_115 = arith.andi %add3A_109, %and3A_114 : vector<16xi32>
    %gather3A_116 = tpu.vector_load_idx %arg5[%shift_right_arithmetic3A_112, %and3A_115] : memref<200x128xi32, #tpu.memory_space<vmem>>[vector<16xi32>, vector<16xi32>], vector<16xi32>,
    %swap3A_117 = arith.constant 48 : index
    %swap3A_118 = tpu.vector_load %arg6[%swap3A_117] {strides = array<i32>} : memref<128xi32, #tpu.memory_space<vmem>>, vector<16xi32>,
    tpu.vector_store %arg6[%swap3A_117], %gather3A_116 {strides = array<i32>} : memref<128xi32, #tpu.memory_space<vmem>>, vector<16xi32>,
    %add3A_119 = arith.constant 64 : i32
    %add3A_120 = vector.broadcast %add3A_119 : i32 to vector<16xi32>
    %add3A_121 = arith.addi %add3A_120, %iota3A : vector<16xi32>
    %mul3A_122 = arith.constant 200 : i32
    %mul3A_123 = vector.broadcast %mul3A_122 : i32 to vector<16xi32>
    %mul3A_124 = arith.muli %add3A_121, %mul3A_123 : vector<16xi32>
    %add3A_125 = arith.constant 0 : i32
    %add3A_126 = vector.broadcast %add3A_125 : i32 to vector<16xi32>
    %add3A_127 = arith.addi %mul3A_124, %add3A_126 : vector<16xi32>
    %shift_right_arithmetic3A_128 = arith.constant 7 : i32
    %shift_right_arithmetic3A_129 = vector.broadcast %shift_right_arithmetic3A_128 : i32 to vector<16xi32>
    %shift_right_arithmetic3A_130 = arith.shrsi %add3A_127, %shift_right_arithmetic3A_129 : vector<16xi32>
    %and3A_131 = arith.constant 127 : i32
    %and3A_132 = vector.broadcast %and3A_131 : i32 to vector<16xi32>
    %and3A_133 = arith.andi %add3A_127, %and3A_132 : vector<16xi32>
    %gather3A_134 = tpu.vector_load_idx %arg5[%shift_right_arithmetic3A_130, %and3A_133] : memref<200x128xi32, #tpu.memory_space<vmem>>[vector<16xi32>, vector<16xi32>], vector<16xi32>,
    %swap3A_135 = arith.constant 64 : index
    %swap3A_136 = tpu.vector_load %arg6[%swap3A_135] {strides = array<i32>} : memref<128xi32, #tpu.memory_space<vmem>>, vector<16xi32>,
    tpu.vector_store %arg6[%swap3A_135], %gather3A_134 {strides = array<i32>} : memref<128xi32, #tpu.memory_space<vmem>>, vector<16xi32>,
    %add3A_137 = arith.constant 80 : i32
    %add3A_138 = vector.broadcast %add3A_137 : i32 to vector<16xi32>
    %add3A_139 = arith.addi %add3A_138, %iota3A : vector<16xi32>
    %mul3A_140 = arith.constant 200 : i32
    %mul3A_141 = vector.broadcast %mul3A_140 : i32 to vector<16xi32>
    %mul3A_142 = arith.muli %add3A_139, %mul3A_141 : vector<16xi32>
    %add3A_143 = arith.constant 0 : i32
    %add3A_144 = vector.broadcast %add3A_143 : i32 to vector<16xi32>
    %add3A_145 = arith.addi %mul3A_142, %add3A_144 : vector<16xi32>
    %shift_right_arithmetic3A_146 = arith.constant 7 : i32
    %shift_right_arithmetic3A_147 = vector.broadcast %shift_right_arithmetic3A_146 : i32 to vector<16xi32>
    %shift_right_arithmetic3A_148 = arith.shrsi %add3A_145, %shift_right_arithmetic3A_147 : vector<16xi32>
    %and3A_149 = arith.constant 127 : i32
    %and3A_150 = vector.broadcast %and3A_149 : i32 to vector<16xi32>
    %and3A_151 = arith.andi %add3A_145, %and3A_150 : vector<16xi32>
    %gather3A_152 = tpu.vector_load_idx %arg5[%shift_right_arithmetic3A_148, %and3A_151] : memref<200x128xi32, #tpu.memory_space<vmem>>[vector<16xi32>, vector<16xi32>], vector<16xi32>,
    %swap3A_153 = arith.constant 80 : index
    %swap3A_154 = tpu.vector_load %arg6[%swap3A_153] {strides = array<i32>} : memref<128xi32, #tpu.memory_space<vmem>>, vector<16xi32>,
    tpu.vector_store %arg6[%swap3A_153], %gather3A_152 {strides = array<i32>} : memref<128xi32, #tpu.memory_space<vmem>>, vector<16xi32>,
    %add3A_155 = arith.constant 96 : i32
    %add3A_156 = vector.broadcast %add3A_155 : i32 to vector<16xi32>
    %add3A_157 = arith.addi %add3A_156, %iota3A : vector<16xi32>
    %mul3A_158 = arith.constant 200 : i32
    %mul3A_159 = vector.broadcast %mul3A_158 : i32 to vector<16xi32>
    %mul3A_160 = arith.muli %add3A_157, %mul3A_159 : vector<16xi32>
    %add3A_161 = arith.constant 0 : i32
    %add3A_162 = vector.broadcast %add3A_161 : i32 to vector<16xi32>
    %add3A_163 = arith.addi %mul3A_160, %add3A_162 : vector<16xi32>
    %shift_right_arithmetic3A_164 = arith.constant 7 : i32
    %shift_right_arithmetic3A_165 = vector.broadcast %shift_right_arithmetic3A_164 : i32 to vector<16xi32>
    %shift_right_arithmetic3A_166 = arith.shrsi %add3A_163, %shift_right_arithmetic3A_165 : vector<16xi32>
    %and3A_167 = arith.constant 127 : i32
    %and3A_168 = vector.broadcast %and3A_167 : i32 to vector<16xi32>
    %and3A_169 = arith.andi %add3A_163, %and3A_168 : vector<16xi32>
    %gather3A_170 = tpu.vector_load_idx %arg5[%shift_right_arithmetic3A_166, %and3A_169] : memref<200x128xi32, #tpu.memory_space<vmem>>[vector<16xi32>, vector<16xi32>], vector<16xi32>,
    %swap3A_171 = arith.constant 96 : index
    %swap3A_172 = tpu.vector_load %arg6[%swap3A_171] {strides = array<i32>} : memref<128xi32, #tpu.memory_space<vmem>>, vector<16xi32>,
    tpu.vector_store %arg6[%swap3A_171], %gather3A_170 {strides = array<i32>} : memref<128xi32, #tpu.memory_space<vmem>>, vector<16xi32>,
    %add3A_173 = arith.constant 112 : i32
    %add3A_174 = vector.broadcast %add3A_173 : i32 to vector<16xi32>
    %add3A_175 = arith.addi %add3A_174, %iota3A : vector<16xi32>
    %mul3A_176 = arith.constant 200 : i32
    %mul3A_177 = vector.broadcast %mul3A_176 : i32 to vector<16xi32>
    %mul3A_178 = arith.muli %add3A_175, %mul3A_177 : vector<16xi32>
    %add3A_179 = arith.constant 0 : i32
    %add3A_180 = vector.broadcast %add3A_179 : i32 to vector<16xi32>
    %add3A_181 = arith.addi %mul3A_178, %add3A_180 : vector<16xi32>
    %shift_right_arithmetic3A_182 = arith.constant 7 : i32
    %shift_right_arithmetic3A_183 = vector.broadcast %shift_right_arithmetic3A_182 : i32 to vector<16xi32>
    %shift_right_arithmetic3A_184 = arith.shrsi %add3A_181, %shift_right_arithmetic3A_183 : vector<16xi32>
    %and3A_185 = arith.constant 127 : i32
    %and3A_186 = vector.broadcast %and3A_185 : i32 to vector<16xi32>
    %and3A_187 = arith.andi %add3A_181, %and3A_186 : vector<16xi32>
    %gather3A_188 = tpu.vector_load_idx %arg5[%shift_right_arithmetic3A_184, %and3A_187] : memref<200x128xi32, #tpu.memory_space<vmem>>[vector<16xi32>, vector<16xi32>], vector<16xi32>,
    %swap3A_189 = arith.constant 112 : index
    %swap3A_190 = tpu.vector_load %arg6[%swap3A_189] {strides = array<i32>} : memref<128xi32, #tpu.memory_space<vmem>>, vector<16xi32>,
    tpu.vector_store %arg6[%swap3A_189], %gather3A_188 {strides = array<i32>} : memref<128xi32, #tpu.memory_space<vmem>>, vector<16xi32>,
    %dma_start3A = arith.constant 0 : i32
    %dma_start3A_191 = arith.constant 0 : i32
    %dma_start3A_192 = tpu.memref_slice %arg3[%dma_start3A, %dma_start3A_191] : memref<1000000x128xf32, #tpu.memory_space<hbm>> -> memref<1000000x128xf32, #tpu.memory_space<hbm>>
    tpu.enqueue_indirect_dma source(%dma_start3A_192 : memref<1000000x128xf32, #tpu.memory_space<hbm>>) target(%arg8 : memref<128x128xf32, #tpu.memory_space<vmem>>) offsets(%arg6 : memref<128xi32, #tpu.memory_space<vmem>>) semaphore(%arg12 : memref<!tpu.dma_semaphore, #tpu.memory_space<semaphore_mem>>)
    %scan3A = arith.constant 0 : i32
    %scan3A_193 = arith.constant 0 : i32
    %scan3A_194 = arith.constant 100 : i32
    %scan3A_195 = arith.addi %scan3A_193, %scan3A_194 : i32
    %scan3A_196 = arith.constant 1 : i32
    scf.for %scan3A_235 = %scan3A_193 to %scan3A_195 step %scan3A_196  : i32 {
      %mul3A_236 = arith.constant 2 : i32
      %mul3A_237 = arith.muli %scan3A_235, %mul3A_236 : i32
      %add3A_238 = arith.constant 0 : i32
      %add3A_239 = arith.addi %mul3A_237, %add3A_238 : i32
      %dma_wait3A_240 = arith.constant 0 : i32
      %dma_wait3A_241 = arith.constant 0 : i32
      %dma_wait3A_242 = tpu.memref_slice %arg3[%dma_wait3A_240, %dma_wait3A_241] : memref<1000000x128xf32, #tpu.memory_space<hbm>> -> memref<1000000x128xf32, #tpu.memory_space<hbm>>
      tpu.wait_indirect_dma semaphore(%arg12 : memref<!tpu.dma_semaphore, #tpu.memory_space<semaphore_mem>>) src(%dma_wait3A_242 : memref<1000000x128xf32, #tpu.memory_space<hbm>>) dst(%arg8 : memref<128x128xf32, #tpu.memory_space<vmem>>)
      %lt3A = arith.constant 199 : i32
      %lt3A_243 = arith.cmpi slt, %add3A_239, %lt3A : i32
      %convert_element_type3A = arith.extui %lt3A_243 : i1 to i32
      %cond3A = arith.constant 0 : i32
      %cond3A_244 = arith.cmpi ne, %convert_element_type3A, %cond3A : i32
      scf.if %cond3A_244 {
        %add3A_307 = arith.constant 1 : i32
        %add3A_308 = arith.addi %add3A_239, %add3A_307 : i32
        %add3A_309 = arith.constant 0 : i32
        %add3A_310 = vector.broadcast %add3A_309 : i32 to vector<16xi32>
        %add3A_311 = arith.addi %add3A_310, %iota3A : vector<16xi32>
        %mul3A_312 = arith.constant 200 : i32
        %mul3A_313 = vector.broadcast %mul3A_312 : i32 to vector<16xi32>
        %mul3A_314 = arith.muli %add3A_311, %mul3A_313 : vector<16xi32>
        %add3A_315 = vector.broadcast %add3A_308 : i32 to vector<16xi32>
        %add3A_316 = arith.addi %mul3A_314, %add3A_315 : vector<16xi32>
        %shift_right_arithmetic3A_317 = arith.constant 7 : i32
        %shift_right_arithmetic3A_318 = vector.broadcast %shift_right_arithmetic3A_317 : i32 to vector<16xi32>
        %shift_right_arithmetic3A_319 = arith.shrsi %add3A_316, %shift_right_arithmetic3A_318 : vector<16xi32>
        %and3A_320 = arith.constant 127 : i32
        %and3A_321 = vector.broadcast %and3A_320 : i32 to vector<16xi32>
        %and3A_322 = arith.andi %add3A_316, %and3A_321 : vector<16xi32>
        %gather3A_323 = tpu.vector_load_idx %arg5[%shift_right_arithmetic3A_319, %and3A_322] : memref<200x128xi32, #tpu.memory_space<vmem>>[vector<16xi32>, vector<16xi32>], vector<16xi32>,
        %swap3A_324 = arith.constant 0 : index
        %swap3A_325 = tpu.vector_load %arg7[%swap3A_324] {strides = array<i32>} : memref<128xi32, #tpu.memory_space<vmem>>, vector<16xi32>,
        tpu.vector_store %arg7[%swap3A_324], %gather3A_323 {strides = array<i32>} : memref<128xi32, #tpu.memory_space<vmem>>, vector<16xi32>,
        %add3A_326 = arith.constant 16 : i32
        %add3A_327 = vector.broadcast %add3A_326 : i32 to vector<16xi32>
        %add3A_328 = arith.addi %add3A_327, %iota3A : vector<16xi32>
        %mul3A_329 = arith.constant 200 : i32
        %mul3A_330 = vector.broadcast %mul3A_329 : i32 to vector<16xi32>
        %mul3A_331 = arith.muli %add3A_328, %mul3A_330 : vector<16xi32>
        %add3A_332 = vector.broadcast %add3A_308 : i32 to vector<16xi32>
        %add3A_333 = arith.addi %mul3A_331, %add3A_332 : vector<16xi32>
        %shift_right_arithmetic3A_334 = arith.constant 7 : i32
        %shift_right_arithmetic3A_335 = vector.broadcast %shift_right_arithmetic3A_334 : i32 to vector<16xi32>
        %shift_right_arithmetic3A_336 = arith.shrsi %add3A_333, %shift_right_arithmetic3A_335 : vector<16xi32>
        %and3A_337 = arith.constant 127 : i32
        %and3A_338 = vector.broadcast %and3A_337 : i32 to vector<16xi32>
        %and3A_339 = arith.andi %add3A_333, %and3A_338 : vector<16xi32>
        %gather3A_340 = tpu.vector_load_idx %arg5[%shift_right_arithmetic3A_336, %and3A_339] : memref<200x128xi32, #tpu.memory_space<vmem>>[vector<16xi32>, vector<16xi32>], vector<16xi32>,
        %swap3A_341 = arith.constant 16 : index
        %swap3A_342 = tpu.vector_load %arg7[%swap3A_341] {strides = array<i32>} : memref<128xi32, #tpu.memory_space<vmem>>, vector<16xi32>,
        tpu.vector_store %arg7[%swap3A_341], %gather3A_340 {strides = array<i32>} : memref<128xi32, #tpu.memory_space<vmem>>, vector<16xi32>,
        %add3A_343 = arith.constant 32 : i32
        %add3A_344 = vector.broadcast %add3A_343 : i32 to vector<16xi32>
        %add3A_345 = arith.addi %add3A_344, %iota3A : vector<16xi32>
        %mul3A_346 = arith.constant 200 : i32
        %mul3A_347 = vector.broadcast %mul3A_346 : i32 to vector<16xi32>
        %mul3A_348 = arith.muli %add3A_345, %mul3A_347 : vector<16xi32>
        %add3A_349 = vector.broadcast %add3A_308 : i32 to vector<16xi32>
        %add3A_350 = arith.addi %mul3A_348, %add3A_349 : vector<16xi32>
        %shift_right_arithmetic3A_351 = arith.constant 7 : i32
        %shift_right_arithmetic3A_352 = vector.broadcast %shift_right_arithmetic3A_351 : i32 to vector<16xi32>
        %shift_right_arithmetic3A_353 = arith.shrsi %add3A_350, %shift_right_arithmetic3A_352 : vector<16xi32>
        %and3A_354 = arith.constant 127 : i32
        %and3A_355 = vector.broadcast %and3A_354 : i32 to vector<16xi32>
        %and3A_356 = arith.andi %add3A_350, %and3A_355 : vector<16xi32>
        %gather3A_357 = tpu.vector_load_idx %arg5[%shift_right_arithmetic3A_353, %and3A_356] : memref<200x128xi32, #tpu.memory_space<vmem>>[vector<16xi32>, vector<16xi32>], vector<16xi32>,
        %swap3A_358 = arith.constant 32 : index
        %swap3A_359 = tpu.vector_load %arg7[%swap3A_358] {strides = array<i32>} : memref<128xi32, #tpu.memory_space<vmem>>, vector<16xi32>,
        tpu.vector_store %arg7[%swap3A_358], %gather3A_357 {strides = array<i32>} : memref<128xi32, #tpu.memory_space<vmem>>, vector<16xi32>,
        %add3A_360 = arith.constant 48 : i32
        %add3A_361 = vector.broadcast %add3A_360 : i32 to vector<16xi32>
        %add3A_362 = arith.addi %add3A_361, %iota3A : vector<16xi32>
        %mul3A_363 = arith.constant 200 : i32
        %mul3A_364 = vector.broadcast %mul3A_363 : i32 to vector<16xi32>
        %mul3A_365 = arith.muli %add3A_362, %mul3A_364 : vector<16xi32>
        %add3A_366 = vector.broadcast %add3A_308 : i32 to vector<16xi32>
        %add3A_367 = arith.addi %mul3A_365, %add3A_366 : vector<16xi32>
        %shift_right_arithmetic3A_368 = arith.constant 7 : i32
        %shift_right_arithmetic3A_369 = vector.broadcast %shift_right_arithmetic3A_368 : i32 to vector<16xi32>
        %shift_right_arithmetic3A_370 = arith.shrsi %add3A_367, %shift_right_arithmetic3A_369 : vector<16xi32>
        %and3A_371 = arith.constant 127 : i32
        %and3A_372 = vector.broadcast %and3A_371 : i32 to vector<16xi32>
        %and3A_373 = arith.andi %add3A_367, %and3A_372 : vector<16xi32>
        %gather3A_374 = tpu.vector_load_idx %arg5[%shift_right_arithmetic3A_370, %and3A_373] : memref<200x128xi32, #tpu.memory_space<vmem>>[vector<16xi32>, vector<16xi32>], vector<16xi32>,
        %swap3A_375 = arith.constant 48 : index
        %swap3A_376 = tpu.vector_load %arg7[%swap3A_375] {strides = array<i32>} : memref<128xi32, #tpu.memory_space<vmem>>, vector<16xi32>,
        tpu.vector_store %arg7[%swap3A_375], %gather3A_374 {strides = array<i32>} : memref<128xi32, #tpu.memory_space<vmem>>, vector<16xi32>,
        %add3A_377 = arith.constant 64 : i32
        %add3A_378 = vector.broadcast %add3A_377 : i32 to vector<16xi32>
        %add3A_379 = arith.addi %add3A_378, %iota3A : vector<16xi32>
        %mul3A_380 = arith.constant 200 : i32
        %mul3A_381 = vector.broadcast %mul3A_380 : i32 to vector<16xi32>
        %mul3A_382 = arith.muli %add3A_379, %mul3A_381 : vector<16xi32>
        %add3A_383 = vector.broadcast %add3A_308 : i32 to vector<16xi32>
        %add3A_384 = arith.addi %mul3A_382, %add3A_383 : vector<16xi32>
        %shift_right_arithmetic3A_385 = arith.constant 7 : i32
        %shift_right_arithmetic3A_386 = vector.broadcast %shift_right_arithmetic3A_385 : i32 to vector<16xi32>
        %shift_right_arithmetic3A_387 = arith.shrsi %add3A_384, %shift_right_arithmetic3A_386 : vector<16xi32>
        %and3A_388 = arith.constant 127 : i32
        %and3A_389 = vector.broadcast %and3A_388 : i32 to vector<16xi32>
        %and3A_390 = arith.andi %add3A_384, %and3A_389 : vector<16xi32>
        %gather3A_391 = tpu.vector_load_idx %arg5[%shift_right_arithmetic3A_387, %and3A_390] : memref<200x128xi32, #tpu.memory_space<vmem>>[vector<16xi32>, vector<16xi32>], vector<16xi32>,
        %swap3A_392 = arith.constant 64 : index
        %swap3A_393 = tpu.vector_load %arg7[%swap3A_392] {strides = array<i32>} : memref<128xi32, #tpu.memory_space<vmem>>, vector<16xi32>,
        tpu.vector_store %arg7[%swap3A_392], %gather3A_391 {strides = array<i32>} : memref<128xi32, #tpu.memory_space<vmem>>, vector<16xi32>,
        %add3A_394 = arith.constant 80 : i32
        %add3A_395 = vector.broadcast %add3A_394 : i32 to vector<16xi32>
        %add3A_396 = arith.addi %add3A_395, %iota3A : vector<16xi32>
        %mul3A_397 = arith.constant 200 : i32
        %mul3A_398 = vector.broadcast %mul3A_397 : i32 to vector<16xi32>
        %mul3A_399 = arith.muli %add3A_396, %mul3A_398 : vector<16xi32>
        %add3A_400 = vector.broadcast %add3A_308 : i32 to vector<16xi32>
        %add3A_401 = arith.addi %mul3A_399, %add3A_400 : vector<16xi32>
        %shift_right_arithmetic3A_402 = arith.constant 7 : i32
        %shift_right_arithmetic3A_403 = vector.broadcast %shift_right_arithmetic3A_402 : i32 to vector<16xi32>
        %shift_right_arithmetic3A_404 = arith.shrsi %add3A_401, %shift_right_arithmetic3A_403 : vector<16xi32>
        %and3A_405 = arith.constant 127 : i32
        %and3A_406 = vector.broadcast %and3A_405 : i32 to vector<16xi32>
        %and3A_407 = arith.andi %add3A_401, %and3A_406 : vector<16xi32>
        %gather3A_408 = tpu.vector_load_idx %arg5[%shift_right_arithmetic3A_404, %and3A_407] : memref<200x128xi32, #tpu.memory_space<vmem>>[vector<16xi32>, vector<16xi32>], vector<16xi32>,
        %swap3A_409 = arith.constant 80 : index
        %swap3A_410 = tpu.vector_load %arg7[%swap3A_409] {strides = array<i32>} : memref<128xi32, #tpu.memory_space<vmem>>, vector<16xi32>,
        tpu.vector_store %arg7[%swap3A_409], %gather3A_408 {strides = array<i32>} : memref<128xi32, #tpu.memory_space<vmem>>, vector<16xi32>,
        %add3A_411 = arith.constant 96 : i32
        %add3A_412 = vector.broadcast %add3A_411 : i32 to vector<16xi32>
        %add3A_413 = arith.addi %add3A_412, %iota3A : vector<16xi32>
        %mul3A_414 = arith.constant 200 : i32
        %mul3A_415 = vector.broadcast %mul3A_414 : i32 to vector<16xi32>
        %mul3A_416 = arith.muli %add3A_413, %mul3A_415 : vector<16xi32>
        %add3A_417 = vector.broadcast %add3A_308 : i32 to vector<16xi32>
        %add3A_418 = arith.addi %mul3A_416, %add3A_417 : vector<16xi32>
        %shift_right_arithmetic3A_419 = arith.constant 7 : i32
        %shift_right_arithmetic3A_420 = vector.broadcast %shift_right_arithmetic3A_419 : i32 to vector<16xi32>
        %shift_right_arithmetic3A_421 = arith.shrsi %add3A_418, %shift_right_arithmetic3A_420 : vector<16xi32>
        %and3A_422 = arith.constant 127 : i32
        %and3A_423 = vector.broadcast %and3A_422 : i32 to vector<16xi32>
        %and3A_424 = arith.andi %add3A_418, %and3A_423 : vector<16xi32>
        %gather3A_425 = tpu.vector_load_idx %arg5[%shift_right_arithmetic3A_421, %and3A_424] : memref<200x128xi32, #tpu.memory_space<vmem>>[vector<16xi32>, vector<16xi32>], vector<16xi32>,
        %swap3A_426 = arith.constant 96 : index
        %swap3A_427 = tpu.vector_load %arg7[%swap3A_426] {strides = array<i32>} : memref<128xi32, #tpu.memory_space<vmem>>, vector<16xi32>,
        tpu.vector_store %arg7[%swap3A_426], %gather3A_425 {strides = array<i32>} : memref<128xi32, #tpu.memory_space<vmem>>, vector<16xi32>,
        %add3A_428 = arith.constant 112 : i32
        %add3A_429 = vector.broadcast %add3A_428 : i32 to vector<16xi32>
        %add3A_430 = arith.addi %add3A_429, %iota3A : vector<16xi32>
        %mul3A_431 = arith.constant 200 : i32
        %mul3A_432 = vector.broadcast %mul3A_431 : i32 to vector<16xi32>
        %mul3A_433 = arith.muli %add3A_430, %mul3A_432 : vector<16xi32>
        %add3A_434 = vector.broadcast %add3A_308 : i32 to vector<16xi32>
        %add3A_435 = arith.addi %mul3A_433, %add3A_434 : vector<16xi32>
        %shift_right_arithmetic3A_436 = arith.constant 7 : i32
        %shift_right_arithmetic3A_437 = vector.broadcast %shift_right_arithmetic3A_436 : i32 to vector<16xi32>
        %shift_right_arithmetic3A_438 = arith.shrsi %add3A_435, %shift_right_arithmetic3A_437 : vector<16xi32>
        %and3A_439 = arith.constant 127 : i32
        %and3A_440 = vector.broadcast %and3A_439 : i32 to vector<16xi32>
        %and3A_441 = arith.andi %add3A_435, %and3A_440 : vector<16xi32>
        %gather3A_442 = tpu.vector_load_idx %arg5[%shift_right_arithmetic3A_438, %and3A_441] : memref<200x128xi32, #tpu.memory_space<vmem>>[vector<16xi32>, vector<16xi32>], vector<16xi32>,
        %swap3A_443 = arith.constant 112 : index
        %swap3A_444 = tpu.vector_load %arg7[%swap3A_443] {strides = array<i32>} : memref<128xi32, #tpu.memory_space<vmem>>, vector<16xi32>,
        tpu.vector_store %arg7[%swap3A_443], %gather3A_442 {strides = array<i32>} : memref<128xi32, #tpu.memory_space<vmem>>, vector<16xi32>,
        %dma_start3A_445 = arith.constant 0 : i32
        %dma_start3A_446 = arith.constant 0 : i32
        %dma_start3A_447 = tpu.memref_slice %arg3[%dma_start3A_445, %dma_start3A_446] : memref<1000000x128xf32, #tpu.memory_space<hbm>> -> memref<1000000x128xf32, #tpu.memory_space<hbm>>
        tpu.enqueue_indirect_dma source(%dma_start3A_447 : memref<1000000x128xf32, #tpu.memory_space<hbm>>) target(%arg9 : memref<128x128xf32, #tpu.memory_space<vmem>>) offsets(%arg7 : memref<128xi32, #tpu.memory_space<vmem>>) semaphore(%arg13 : memref<!tpu.dma_semaphore, #tpu.memory_space<semaphore_mem>>)
      } else {
      }
      %ge3A = arith.constant 2 : i32
      %ge3A_245 = arith.cmpi sge, %add3A_239, %ge3A : i32
      %convert_element_type3A_246 = arith.extui %ge3A_245 : i1 to i32
      %cond3A_247 = arith.constant 0 : i32
      %cond3A_248 = arith.cmpi ne, %convert_element_type3A_246, %cond3A_247 : i32
      scf.if %cond3A_248 {
        %dma_wait3A_307 = arith.constant 0 : i32
        %dma_wait3A_308 = arith.constant 0 : i32
        %dma_wait3A_309 = arith.constant 0 : i32
        %dma_wait3A_310 = tpu.memref_slice %arg10[%dma_wait3A_307, %dma_wait3A_308, %dma_wait3A_309] : memref<8x8x133xf32, #tpu.memory_space<vmem>> -> memref<8x8x128xf32, #tpu.memory_space<vmem>>
        %dma_wait3A_311 = arith.constant 0 : i32
        %dma_wait3A_312 = arith.constant 0 : i32
        %dma_wait3A_313 = arith.constant 0 : i32
        %dma_wait3A_314 = tpu.memref_slice %arg4[%add3A_239, %dma_wait3A_311, %add3A, %dma_wait3A_312, %dma_wait3A_313] : memref<200x8x32x8x128xf32, #tpu.memory_space<hbm>> -> memref<1x8x1x8x128xf32, #tpu.memory_space<hbm>>
        %dma_wait3A_315 = tpu.memref_squeeze %dma_wait3A_314 : memref<1x8x1x8x128xf32, #tpu.memory_space<hbm>> -> memref<8x8x128xf32, #tpu.memory_space<hbm>>
        %dma_wait3A_316 = arith.constant 0 : i32
        %dma_wait3A_317 = arith.constant 0 : i32
        %dma_wait3A_318 = arith.constant 0 : i32
        %dma_wait3A_319 = tpu.memref_slice %arg4[%add3A_239, %dma_wait3A_316, %add3A, %dma_wait3A_317, %dma_wait3A_318] : memref<200x8x32x8x128xf32, #tpu.memory_space<hbm>> -> memref<1x8x1x8x128xf32, #tpu.memory_space<hbm>>
        %dma_wait3A_320 = tpu.memref_squeeze %dma_wait3A_319 : memref<1x8x1x8x128xf32, #tpu.memory_space<hbm>> -> memref<8x8x128xf32, #tpu.memory_space<hbm>>
        %dma_wait3A_321 = arith.constant 0 : i32
        %dma_wait3A_322 = arith.constant 0 : i32
        %dma_wait3A_323 = arith.constant 0 : i32
        %dma_wait3A_324 = tpu.memref_slice %arg10[%dma_wait3A_321, %dma_wait3A_322, %dma_wait3A_323] : memref<8x8x133xf32, #tpu.memory_space<vmem>> -> memref<8x8x128xf32, #tpu.memory_space<vmem>>
        tpu.wait_dma2 semaphore(%arg14 : memref<!tpu.dma_semaphore, #tpu.memory_space<semaphore_mem>>) src(%dma_wait3A_324 : memref<8x8x128xf32, #tpu.memory_space<vmem>>) dst(%dma_wait3A_320 : memref<8x8x128xf32, #tpu.memory_space<hbm>>)
      } else {
      }
      %parallel_loop3A = arith.constant 0 : i32
      %parallel_loop3A_249 = arith.constant 128 : i32
      %parallel_loop3A_250 = arith.constant 1 : i32
      scf.for %parallel_loop3A_307 = %parallel_loop3A to %parallel_loop3A_249 step %parallel_loop3A_250  : i32 {
        %parallel_loop3A_308 = vector.broadcast %parallel_loop3A_307 : i32 to vector<16xi32>
        %parallel_loop3A_309 = arith.index_cast %parallel_loop3A_307 : i32 to index
        %parallel_loop3A_310 = arith.constant 0 : index
        %parallel_loop3A_311 = tpu.vector_load %arg8[%parallel_loop3A_309, %parallel_loop3A_310] {strides = array<i32>} : memref<128x128xf32, #tpu.memory_space<vmem>>, vector<16xf32>,
        %parallel_loop3A_312 = arith.constant 8.000000e+00 : f32
        %parallel_loop3A_313 = vector.broadcast %parallel_loop3A_312 : f32 to vector<16xf32>
        %parallel_loop3A_314 = arith.mulf %parallel_loop3A_311, %parallel_loop3A_313 : vector<16xf32>
        tpu.vector_store_idx %arg10[%shift_right_arithmetic3A_5, %and3A_28, %parallel_loop3A_308], %parallel_loop3A_314 : memref<8x8x133xf32, #tpu.memory_space<vmem>>[vector<16xi32>, vector<16xi32>, vector<16xi32>], vector<16xf32>,
        %parallel_loop3A_315 = arith.index_cast %parallel_loop3A_307 : i32 to index
        %parallel_loop3A_316 = arith.constant 16 : index
        %parallel_loop3A_317 = tpu.vector_load %arg8[%parallel_loop3A_315, %parallel_loop3A_316] {strides = array<i32>} : memref<128x128xf32, #tpu.memory_space<vmem>>, vector<16xf32>,
        %parallel_loop3A_318 = arith.constant 8.000000e+00 : f32
        %parallel_loop3A_319 = vector.broadcast %parallel_loop3A_318 : f32 to vector<16xf32>
        %parallel_loop3A_320 = arith.mulf %parallel_loop3A_317, %parallel_loop3A_319 : vector<16xf32>
        tpu.vector_store_idx %arg10[%shift_right_arithmetic3A_11, %and3A_34, %parallel_loop3A_308], %parallel_loop3A_320 : memref<8x8x133xf32, #tpu.memory_space<vmem>>[vector<16xi32>, vector<16xi32>, vector<16xi32>], vector<16xf32>,
        %parallel_loop3A_321 = arith.index_cast %parallel_loop3A_307 : i32 to index
        %parallel_loop3A_322 = arith.constant 32 : index
        %parallel_loop3A_323 = tpu.vector_load %arg8[%parallel_loop3A_321, %parallel_loop3A_322] {strides = array<i32>} : memref<128x128xf32, #tpu.memory_space<vmem>>, vector<16xf32>,
        %parallel_loop3A_324 = arith.constant 8.000000e+00 : f32
        %parallel_loop3A_325 = vector.broadcast %parallel_loop3A_324 : f32 to vector<16xf32>
        %parallel_loop3A_326 = arith.mulf %parallel_loop3A_323, %parallel_loop3A_325 : vector<16xf32>
        tpu.vector_store_idx %arg10[%shift_right_arithmetic3A_17, %and3A_40, %parallel_loop3A_308], %parallel_loop3A_326 : memref<8x8x133xf32, #tpu.memory_space<vmem>>[vector<16xi32>, vector<16xi32>, vector<16xi32>], vector<16xf32>,
        %parallel_loop3A_327 = arith.index_cast %parallel_loop3A_307 : i32 to index
        %parallel_loop3A_328 = arith.constant 48 : index
        %parallel_loop3A_329 = tpu.vector_load %arg8[%parallel_loop3A_327, %parallel_loop3A_328] {strides = array<i32>} : memref<128x128xf32, #tpu.memory_space<vmem>>, vector<16xf32>,
        %parallel_loop3A_330 = arith.constant 8.000000e+00 : f32
        %parallel_loop3A_331 = vector.broadcast %parallel_loop3A_330 : f32 to vector<16xf32>
        %parallel_loop3A_332 = arith.mulf %parallel_loop3A_329, %parallel_loop3A_331 : vector<16xf32>
        tpu.vector_store_idx %arg10[%shift_right_arithmetic3A_23, %and3A_46, %parallel_loop3A_308], %parallel_loop3A_332 : memref<8x8x133xf32, #tpu.memory_space<vmem>>[vector<16xi32>, vector<16xi32>, vector<16xi32>], vector<16xf32>,
      } {sc.loop_unroll_factor = 4 : i64, sc.parallel_access}
      %dma_start3A_251 = arith.constant 0 : i32
      %dma_start3A_252 = arith.constant 0 : i32
      %dma_start3A_253 = arith.constant 0 : i32
      %dma_start3A_254 = tpu.memref_slice %arg10[%dma_start3A_251, %dma_start3A_252, %dma_start3A_253] : memref<8x8x133xf32, #tpu.memory_space<vmem>> -> memref<8x8x128xf32, #tpu.memory_space<vmem>>
      %dma_start3A_255 = arith.constant 0 : i32
      %dma_start3A_256 = arith.constant 0 : i32
      %dma_start3A_257 = arith.constant 0 : i32
      %dma_start3A_258 = tpu.memref_slice %arg4[%add3A_239, %dma_start3A_255, %add3A, %dma_start3A_256, %dma_start3A_257] : memref<200x8x32x8x128xf32, #tpu.memory_space<hbm>> -> memref<1x8x1x8x128xf32, #tpu.memory_space<hbm>>
      %dma_start3A_259 = tpu.memref_squeeze %dma_start3A_258 : memref<1x8x1x8x128xf32, #tpu.memory_space<hbm>> -> memref<8x8x128xf32, #tpu.memory_space<hbm>>
      %dma_start3A_260 = arith.constant 0 : i32
      %dma_start3A_261 = arith.constant 0 : i32
      %dma_start3A_262 = arith.constant 0 : i32
      %dma_start3A_263 = tpu.memref_slice %arg4[%add3A_239, %dma_start3A_260, %add3A, %dma_start3A_261, %dma_start3A_262] : memref<200x8x32x8x128xf32, #tpu.memory_space<hbm>> -> memref<1x8x1x8x128xf32, #tpu.memory_space<hbm>>
      %dma_start3A_264 = tpu.memref_squeeze %dma_start3A_263 : memref<1x8x1x8x128xf32, #tpu.memory_space<hbm>> -> memref<8x8x128xf32, #tpu.memory_space<hbm>>
      %dma_start3A_265 = arith.constant 0 : i32
      %dma_start3A_266 = arith.constant 0 : i32
      %dma_start3A_267 = arith.constant 0 : i32
      %dma_start3A_268 = tpu.memref_slice %arg10[%dma_start3A_265, %dma_start3A_266, %dma_start3A_267] : memref<8x8x133xf32, #tpu.memory_space<vmem>> -> memref<8x8x128xf32, #tpu.memory_space<vmem>>
      tpu.enqueue_dma source(%dma_start3A_268 : memref<8x8x128xf32, #tpu.memory_space<vmem>>) target(%dma_start3A_264 : memref<8x8x128xf32, #tpu.memory_space<hbm>>) target_semaphore(%arg14 : memref<!tpu.dma_semaphore, #tpu.memory_space<semaphore_mem>>)
      %mul3A_269 = arith.constant 2 : i32
      %mul3A_270 = arith.muli %scan3A_235, %mul3A_269 : i32
      %add3A_271 = arith.constant 1 : i32
      %add3A_272 = arith.addi %mul3A_270, %add3A_271 : i32
      %dma_wait3A_273 = arith.constant 0 : i32
      %dma_wait3A_274 = arith.constant 0 : i32
      %dma_wait3A_275 = tpu.memref_slice %arg3[%dma_wait3A_273, %dma_wait3A_274] : memref<1000000x128xf32, #tpu.memory_space<hbm>> -> memref<1000000x128xf32, #tpu.memory_space<hbm>>
      tpu.wait_indirect_dma semaphore(%arg13 : memref<!tpu.dma_semaphore, #tpu.memory_space<semaphore_mem>>) src(%dma_wait3A_275 : memref<1000000x128xf32, #tpu.memory_space<hbm>>) dst(%arg9 : memref<128x128xf32, #tpu.memory_space<vmem>>)
      %lt3A_276 = arith.constant 199 : i32
      %lt3A_277 = arith.cmpi slt, %add3A_272, %lt3A_276 : i32
      %convert_element_type3A_278 = arith.extui %lt3A_277 : i1 to i32
      %cond3A_279 = arith.constant 0 : i32
      %cond3A_280 = arith.cmpi ne, %convert_element_type3A_278, %cond3A_279 : i32
      scf.if %cond3A_280 {
        %add3A_307 = arith.constant 1 : i32
        %add3A_308 = arith.addi %add3A_272, %add3A_307 : i32
        %add3A_309 = arith.constant 0 : i32
        %add3A_310 = vector.broadcast %add3A_309 : i32 to vector<16xi32>
        %add3A_311 = arith.addi %add3A_310, %iota3A : vector<16xi32>
        %mul3A_312 = arith.constant 200 : i32
        %mul3A_313 = vector.broadcast %mul3A_312 : i32 to vector<16xi32>
        %mul3A_314 = arith.muli %add3A_311, %mul3A_313 : vector<16xi32>
        %add3A_315 = vector.broadcast %add3A_308 : i32 to vector<16xi32>
        %add3A_316 = arith.addi %mul3A_314, %add3A_315 : vector<16xi32>
        %shift_right_arithmetic3A_317 = arith.constant 7 : i32
        %shift_right_arithmetic3A_318 = vector.broadcast %shift_right_arithmetic3A_317 : i32 to vector<16xi32>
        %shift_right_arithmetic3A_319 = arith.shrsi %add3A_316, %shift_right_arithmetic3A_318 : vector<16xi32>
        %and3A_320 = arith.constant 127 : i32
        %and3A_321 = vector.broadcast %and3A_320 : i32 to vector<16xi32>
        %and3A_322 = arith.andi %add3A_316, %and3A_321 : vector<16xi32>
        %gather3A_323 = tpu.vector_load_idx %arg5[%shift_right_arithmetic3A_319, %and3A_322] : memref<200x128xi32, #tpu.memory_space<vmem>>[vector<16xi32>, vector<16xi32>], vector<16xi32>,
        %swap3A_324 = arith.constant 0 : index
        %swap3A_325 = tpu.vector_load %arg6[%swap3A_324] {strides = array<i32>} : memref<128xi32, #tpu.memory_space<vmem>>, vector<16xi32>,
        tpu.vector_store %arg6[%swap3A_324], %gather3A_323 {strides = array<i32>} : memref<128xi32, #tpu.memory_space<vmem>>, vector<16xi32>,
        %add3A_326 = arith.constant 16 : i32
        %add3A_327 = vector.broadcast %add3A_326 : i32 to vector<16xi32>
        %add3A_328 = arith.addi %add3A_327, %iota3A : vector<16xi32>
        %mul3A_329 = arith.constant 200 : i32
        %mul3A_330 = vector.broadcast %mul3A_329 : i32 to vector<16xi32>
        %mul3A_331 = arith.muli %add3A_328, %mul3A_330 : vector<16xi32>
        %add3A_332 = vector.broadcast %add3A_308 : i32 to vector<16xi32>
        %add3A_333 = arith.addi %mul3A_331, %add3A_332 : vector<16xi32>
        %shift_right_arithmetic3A_334 = arith.constant 7 : i32
        %shift_right_arithmetic3A_335 = vector.broadcast %shift_right_arithmetic3A_334 : i32 to vector<16xi32>
        %shift_right_arithmetic3A_336 = arith.shrsi %add3A_333, %shift_right_arithmetic3A_335 : vector<16xi32>
        %and3A_337 = arith.constant 127 : i32
        %and3A_338 = vector.broadcast %and3A_337 : i32 to vector<16xi32>
        %and3A_339 = arith.andi %add3A_333, %and3A_338 : vector<16xi32>
        %gather3A_340 = tpu.vector_load_idx %arg5[%shift_right_arithmetic3A_336, %and3A_339] : memref<200x128xi32, #tpu.memory_space<vmem>>[vector<16xi32>, vector<16xi32>], vector<16xi32>,
        %swap3A_341 = arith.constant 16 : index
        %swap3A_342 = tpu.vector_load %arg6[%swap3A_341] {strides = array<i32>} : memref<128xi32, #tpu.memory_space<vmem>>, vector<16xi32>,
        tpu.vector_store %arg6[%swap3A_341], %gather3A_340 {strides = array<i32>} : memref<128xi32, #tpu.memory_space<vmem>>, vector<16xi32>,
        %add3A_343 = arith.constant 32 : i32
        %add3A_344 = vector.broadcast %add3A_343 : i32 to vector<16xi32>
        %add3A_345 = arith.addi %add3A_344, %iota3A : vector<16xi32>
        %mul3A_346 = arith.constant 200 : i32
        %mul3A_347 = vector.broadcast %mul3A_346 : i32 to vector<16xi32>
        %mul3A_348 = arith.muli %add3A_345, %mul3A_347 : vector<16xi32>
        %add3A_349 = vector.broadcast %add3A_308 : i32 to vector<16xi32>
        %add3A_350 = arith.addi %mul3A_348, %add3A_349 : vector<16xi32>
        %shift_right_arithmetic3A_351 = arith.constant 7 : i32
        %shift_right_arithmetic3A_352 = vector.broadcast %shift_right_arithmetic3A_351 : i32 to vector<16xi32>
        %shift_right_arithmetic3A_353 = arith.shrsi %add3A_350, %shift_right_arithmetic3A_352 : vector<16xi32>
        %and3A_354 = arith.constant 127 : i32
        %and3A_355 = vector.broadcast %and3A_354 : i32 to vector<16xi32>
        %and3A_356 = arith.andi %add3A_350, %and3A_355 : vector<16xi32>
        %gather3A_357 = tpu.vector_load_idx %arg5[%shift_right_arithmetic3A_353, %and3A_356] : memref<200x128xi32, #tpu.memory_space<vmem>>[vector<16xi32>, vector<16xi32>], vector<16xi32>,
        %swap3A_358 = arith.constant 32 : index
        %swap3A_359 = tpu.vector_load %arg6[%swap3A_358] {strides = array<i32>} : memref<128xi32, #tpu.memory_space<vmem>>, vector<16xi32>,
        tpu.vector_store %arg6[%swap3A_358], %gather3A_357 {strides = array<i32>} : memref<128xi32, #tpu.memory_space<vmem>>, vector<16xi32>,
        %add3A_360 = arith.constant 48 : i32
        %add3A_361 = vector.broadcast %add3A_360 : i32 to vector<16xi32>
        %add3A_362 = arith.addi %add3A_361, %iota3A : vector<16xi32>
        %mul3A_363 = arith.constant 200 : i32
        %mul3A_364 = vector.broadcast %mul3A_363 : i32 to vector<16xi32>
        %mul3A_365 = arith.muli %add3A_362, %mul3A_364 : vector<16xi32>
        %add3A_366 = vector.broadcast %add3A_308 : i32 to vector<16xi32>
        %add3A_367 = arith.addi %mul3A_365, %add3A_366 : vector<16xi32>
        %shift_right_arithmetic3A_368 = arith.constant 7 : i32
        %shift_right_arithmetic3A_369 = vector.broadcast %shift_right_arithmetic3A_368 : i32 to vector<16xi32>
        %shift_right_arithmetic3A_370 = arith.shrsi %add3A_367, %shift_right_arithmetic3A_369 : vector<16xi32>
        %and3A_371 = arith.constant 127 : i32
        %and3A_372 = vector.broadcast %and3A_371 : i32 to vector<16xi32>
        %and3A_373 = arith.andi %add3A_367, %and3A_372 : vector<16xi32>
        %gather3A_374 = tpu.vector_load_idx %arg5[%shift_right_arithmetic3A_370, %and3A_373] : memref<200x128xi32, #tpu.memory_space<vmem>>[vector<16xi32>, vector<16xi32>], vector<16xi32>,
        %swap3A_375 = arith.constant 48 : index
        %swap3A_376 = tpu.vector_load %arg6[%swap3A_375] {strides = array<i32>} : memref<128xi32, #tpu.memory_space<vmem>>, vector<16xi32>,
        tpu.vector_store %arg6[%swap3A_375], %gather3A_374 {strides = array<i32>} : memref<128xi32, #tpu.memory_space<vmem>>, vector<16xi32>,
        %add3A_377 = arith.constant 64 : i32
        %add3A_378 = vector.broadcast %add3A_377 : i32 to vector<16xi32>
        %add3A_379 = arith.addi %add3A_378, %iota3A : vector<16xi32>
        %mul3A_380 = arith.constant 200 : i32
        %mul3A_381 = vector.broadcast %mul3A_380 : i32 to vector<16xi32>
        %mul3A_382 = arith.muli %add3A_379, %mul3A_381 : vector<16xi32>
        %add3A_383 = vector.broadcast %add3A_308 : i32 to vector<16xi32>
        %add3A_384 = arith.addi %mul3A_382, %add3A_383 : vector<16xi32>
        %shift_right_arithmetic3A_385 = arith.constant 7 : i32
        %shift_right_arithmetic3A_386 = vector.broadcast %shift_right_arithmetic3A_385 : i32 to vector<16xi32>
        %shift_right_arithmetic3A_387 = arith.shrsi %add3A_384, %shift_right_arithmetic3A_386 : vector<16xi32>
        %and3A_388 = arith.constant 127 : i32
        %and3A_389 = vector.broadcast %and3A_388 : i32 to vector<16xi32>
        %and3A_390 = arith.andi %add3A_384, %and3A_389 : vector<16xi32>
        %gather3A_391 = tpu.vector_load_idx %arg5[%shift_right_arithmetic3A_387, %and3A_390] : memref<200x128xi32, #tpu.memory_space<vmem>>[vector<16xi32>, vector<16xi32>], vector<16xi32>,
        %swap3A_392 = arith.constant 64 : index
        %swap3A_393 = tpu.vector_load %arg6[%swap3A_392] {strides = array<i32>} : memref<128xi32, #tpu.memory_space<vmem>>, vector<16xi32>,
        tpu.vector_store %arg6[%swap3A_392], %gather3A_391 {strides = array<i32>} : memref<128xi32, #tpu.memory_space<vmem>>, vector<16xi32>,
        %add3A_394 = arith.constant 80 : i32
        %add3A_395 = vector.broadcast %add3A_394 : i32 to vector<16xi32>
        %add3A_396 = arith.addi %add3A_395, %iota3A : vector<16xi32>
        %mul3A_397 = arith.constant 200 : i32
        %mul3A_398 = vector.broadcast %mul3A_397 : i32 to vector<16xi32>
        %mul3A_399 = arith.muli %add3A_396, %mul3A_398 : vector<16xi32>
        %add3A_400 = vector.broadcast %add3A_308 : i32 to vector<16xi32>
        %add3A_401 = arith.addi %mul3A_399, %add3A_400 : vector<16xi32>
        %shift_right_arithmetic3A_402 = arith.constant 7 : i32
        %shift_right_arithmetic3A_403 = vector.broadcast %shift_right_arithmetic3A_402 : i32 to vector<16xi32>
        %shift_right_arithmetic3A_404 = arith.shrsi %add3A_401, %shift_right_arithmetic3A_403 : vector<16xi32>
        %and3A_405 = arith.constant 127 : i32
        %and3A_406 = vector.broadcast %and3A_405 : i32 to vector<16xi32>
        %and3A_407 = arith.andi %add3A_401, %and3A_406 : vector<16xi32>
        %gather3A_408 = tpu.vector_load_idx %arg5[%shift_right_arithmetic3A_404, %and3A_407] : memref<200x128xi32, #tpu.memory_space<vmem>>[vector<16xi32>, vector<16xi32>], vector<16xi32>,
        %swap3A_409 = arith.constant 80 : index
        %swap3A_410 = tpu.vector_load %arg6[%swap3A_409] {strides = array<i32>} : memref<128xi32, #tpu.memory_space<vmem>>, vector<16xi32>,
        tpu.vector_store %arg6[%swap3A_409], %gather3A_408 {strides = array<i32>} : memref<128xi32, #tpu.memory_space<vmem>>, vector<16xi32>,
        %add3A_411 = arith.constant 96 : i32
        %add3A_412 = vector.broadcast %add3A_411 : i32 to vector<16xi32>
        %add3A_413 = arith.addi %add3A_412, %iota3A : vector<16xi32>
        %mul3A_414 = arith.constant 200 : i32
        %mul3A_415 = vector.broadcast %mul3A_414 : i32 to vector<16xi32>
        %mul3A_416 = arith.muli %add3A_413, %mul3A_415 : vector<16xi32>
        %add3A_417 = vector.broadcast %add3A_308 : i32 to vector<16xi32>
        %add3A_418 = arith.addi %mul3A_416, %add3A_417 : vector<16xi32>
        %shift_right_arithmetic3A_419 = arith.constant 7 : i32
        %shift_right_arithmetic3A_420 = vector.broadcast %shift_right_arithmetic3A_419 : i32 to vector<16xi32>
        %shift_right_arithmetic3A_421 = arith.shrsi %add3A_418, %shift_right_arithmetic3A_420 : vector<16xi32>
        %and3A_422 = arith.constant 127 : i32
        %and3A_423 = vector.broadcast %and3A_422 : i32 to vector<16xi32>
        %and3A_424 = arith.andi %add3A_418, %and3A_423 : vector<16xi32>
        %gather3A_425 = tpu.vector_load_idx %arg5[%shift_right_arithmetic3A_421, %and3A_424] : memref<200x128xi32, #tpu.memory_space<vmem>>[vector<16xi32>, vector<16xi32>], vector<16xi32>,
        %swap3A_426 = arith.constant 96 : index
        %swap3A_427 = tpu.vector_load %arg6[%swap3A_426] {strides = array<i32>} : memref<128xi32, #tpu.memory_space<vmem>>, vector<16xi32>,
        tpu.vector_store %arg6[%swap3A_426], %gather3A_425 {strides = array<i32>} : memref<128xi32, #tpu.memory_space<vmem>>, vector<16xi32>,
        %add3A_428 = arith.constant 112 : i32
        %add3A_429 = vector.broadcast %add3A_428 : i32 to vector<16xi32>
        %add3A_430 = arith.addi %add3A_429, %iota3A : vector<16xi32>
        %mul3A_431 = arith.constant 200 : i32
        %mul3A_432 = vector.broadcast %mul3A_431 : i32 to vector<16xi32>
        %mul3A_433 = arith.muli %add3A_430, %mul3A_432 : vector<16xi32>
        %add3A_434 = vector.broadcast %add3A_308 : i32 to vector<16xi32>
        %add3A_435 = arith.addi %mul3A_433, %add3A_434 : vector<16xi32>
        %shift_right_arithmetic3A_436 = arith.constant 7 : i32
        %shift_right_arithmetic3A_437 = vector.broadcast %shift_right_arithmetic3A_436 : i32 to vector<16xi32>
        %shift_right_arithmetic3A_438 = arith.shrsi %add3A_435, %shift_right_arithmetic3A_437 : vector<16xi32>
        %and3A_439 = arith.constant 127 : i32
        %and3A_440 = vector.broadcast %and3A_439 : i32 to vector<16xi32>
        %and3A_441 = arith.andi %add3A_435, %and3A_440 : vector<16xi32>
        %gather3A_442 = tpu.vector_load_idx %arg5[%shift_right_arithmetic3A_438, %and3A_441] : memref<200x128xi32, #tpu.memory_space<vmem>>[vector<16xi32>, vector<16xi32>], vector<16xi32>,
        %swap3A_443 = arith.constant 112 : index
        %swap3A_444 = tpu.vector_load %arg6[%swap3A_443] {strides = array<i32>} : memref<128xi32, #tpu.memory_space<vmem>>, vector<16xi32>,
        tpu.vector_store %arg6[%swap3A_443], %gather3A_442 {strides = array<i32>} : memref<128xi32, #tpu.memory_space<vmem>>, vector<16xi32>,
        %dma_start3A_445 = arith.constant 0 : i32
        %dma_start3A_446 = arith.constant 0 : i32
        %dma_start3A_447 = tpu.memref_slice %arg3[%dma_start3A_445, %dma_start3A_446] : memref<1000000x128xf32, #tpu.memory_space<hbm>> -> memref<1000000x128xf32, #tpu.memory_space<hbm>>
        tpu.enqueue_indirect_dma source(%dma_start3A_447 : memref<1000000x128xf32, #tpu.memory_space<hbm>>) target(%arg8 : memref<128x128xf32, #tpu.memory_space<vmem>>) offsets(%arg6 : memref<128xi32, #tpu.memory_space<vmem>>) semaphore(%arg12 : memref<!tpu.dma_semaphore, #tpu.memory_space<semaphore_mem>>)
      } else {
      }
      %ge3A_281 = arith.constant 2 : i32
      %ge3A_282 = arith.cmpi sge, %add3A_272, %ge3A_281 : i32
      %convert_element_type3A_283 = arith.extui %ge3A_282 : i1 to i32
      %cond3A_284 = arith.constant 0 : i32
      %cond3A_285 = arith.cmpi ne, %convert_element_type3A_283, %cond3A_284 : i32
      scf.if %cond3A_285 {
        %dma_wait3A_307 = arith.constant 0 : i32
        %dma_wait3A_308 = arith.constant 0 : i32
        %dma_wait3A_309 = arith.constant 0 : i32
        %dma_wait3A_310 = tpu.memref_slice %arg11[%dma_wait3A_307, %dma_wait3A_308, %dma_wait3A_309] : memref<8x8x133xf32, #tpu.memory_space<vmem>> -> memref<8x8x128xf32, #tpu.memory_space<vmem>>
        %dma_wait3A_311 = arith.constant 0 : i32
        %dma_wait3A_312 = arith.constant 0 : i32
        %dma_wait3A_313 = arith.constant 0 : i32
        %dma_wait3A_314 = tpu.memref_slice %arg4[%add3A_272, %dma_wait3A_311, %add3A, %dma_wait3A_312, %dma_wait3A_313] : memref<200x8x32x8x128xf32, #tpu.memory_space<hbm>> -> memref<1x8x1x8x128xf32, #tpu.memory_space<hbm>>
        %dma_wait3A_315 = tpu.memref_squeeze %dma_wait3A_314 : memref<1x8x1x8x128xf32, #tpu.memory_space<hbm>> -> memref<8x8x128xf32, #tpu.memory_space<hbm>>
        %dma_wait3A_316 = arith.constant 0 : i32
        %dma_wait3A_317 = arith.constant 0 : i32
        %dma_wait3A_318 = arith.constant 0 : i32
        %dma_wait3A_319 = tpu.memref_slice %arg4[%add3A_272, %dma_wait3A_316, %add3A, %dma_wait3A_317, %dma_wait3A_318] : memref<200x8x32x8x128xf32, #tpu.memory_space<hbm>> -> memref<1x8x1x8x128xf32, #tpu.memory_space<hbm>>
        %dma_wait3A_320 = tpu.memref_squeeze %dma_wait3A_319 : memref<1x8x1x8x128xf32, #tpu.memory_space<hbm>> -> memref<8x8x128xf32, #tpu.memory_space<hbm>>
        %dma_wait3A_321 = arith.constant 0 : i32
        %dma_wait3A_322 = arith.constant 0 : i32
        %dma_wait3A_323 = arith.constant 0 : i32
        %dma_wait3A_324 = tpu.memref_slice %arg11[%dma_wait3A_321, %dma_wait3A_322, %dma_wait3A_323] : memref<8x8x133xf32, #tpu.memory_space<vmem>> -> memref<8x8x128xf32, #tpu.memory_space<vmem>>
        tpu.wait_dma2 semaphore(%arg15 : memref<!tpu.dma_semaphore, #tpu.memory_space<semaphore_mem>>) src(%dma_wait3A_324 : memref<8x8x128xf32, #tpu.memory_space<vmem>>) dst(%dma_wait3A_320 : memref<8x8x128xf32, #tpu.memory_space<hbm>>)
      } else {
      }
      %parallel_loop3A_286 = arith.constant 0 : i32
      %parallel_loop3A_287 = arith.constant 128 : i32
      %parallel_loop3A_288 = arith.constant 1 : i32
      scf.for %parallel_loop3A_307 = %parallel_loop3A_286 to %parallel_loop3A_287 step %parallel_loop3A_288  : i32 {
        %parallel_loop3A_308 = vector.broadcast %parallel_loop3A_307 : i32 to vector<16xi32>
        %parallel_loop3A_309 = arith.index_cast %parallel_loop3A_307 : i32 to index
        %parallel_loop3A_310 = arith.constant 0 : index
        %parallel_loop3A_311 = tpu.vector_load %arg9[%parallel_loop3A_309, %parallel_loop3A_310] {strides = array<i32>} : memref<128x128xf32, #tpu.memory_space<vmem>>, vector<16xf32>,
        %parallel_loop3A_312 = arith.constant 8.000000e+00 : f32
        %parallel_loop3A_313 = vector.broadcast %parallel_loop3A_312 : f32 to vector<16xf32>
        %parallel_loop3A_314 = arith.mulf %parallel_loop3A_311, %parallel_loop3A_313 : vector<16xf32>
        tpu.vector_store_idx %arg11[%shift_right_arithmetic3A_5, %and3A_28, %parallel_loop3A_308], %parallel_loop3A_314 : memref<8x8x133xf32, #tpu.memory_space<vmem>>[vector<16xi32>, vector<16xi32>, vector<16xi32>], vector<16xf32>,
        %parallel_loop3A_315 = arith.index_cast %parallel_loop3A_307 : i32 to index
        %parallel_loop3A_316 = arith.constant 16 : index
        %parallel_loop3A_317 = tpu.vector_load %arg9[%parallel_loop3A_315, %parallel_loop3A_316] {strides = array<i32>} : memref<128x128xf32, #tpu.memory_space<vmem>>, vector<16xf32>,
        %parallel_loop3A_318 = arith.constant 8.000000e+00 : f32
        %parallel_loop3A_319 = vector.broadcast %parallel_loop3A_318 : f32 to vector<16xf32>
        %parallel_loop3A_320 = arith.mulf %parallel_loop3A_317, %parallel_loop3A_319 : vector<16xf32>
        tpu.vector_store_idx %arg11[%shift_right_arithmetic3A_11, %and3A_34, %parallel_loop3A_308], %parallel_loop3A_320 : memref<8x8x133xf32, #tpu.memory_space<vmem>>[vector<16xi32>, vector<16xi32>, vector<16xi32>], vector<16xf32>,
        %parallel_loop3A_321 = arith.index_cast %parallel_loop3A_307 : i32 to index
        %parallel_loop3A_322 = arith.constant 32 : index
        %parallel_loop3A_323 = tpu.vector_load %arg9[%parallel_loop3A_321, %parallel_loop3A_322] {strides = array<i32>} : memref<128x128xf32, #tpu.memory_space<vmem>>, vector<16xf32>,
        %parallel_loop3A_324 = arith.constant 8.000000e+00 : f32
        %parallel_loop3A_325 = vector.broadcast %parallel_loop3A_324 : f32 to vector<16xf32>
        %parallel_loop3A_326 = arith.mulf %parallel_loop3A_323, %parallel_loop3A_325 : vector<16xf32>
        tpu.vector_store_idx %arg11[%shift_right_arithmetic3A_17, %and3A_40, %parallel_loop3A_308], %parallel_loop3A_326 : memref<8x8x133xf32, #tpu.memory_space<vmem>>[vector<16xi32>, vector<16xi32>, vector<16xi32>], vector<16xf32>,
        %parallel_loop3A_327 = arith.index_cast %parallel_loop3A_307 : i32 to index
        %parallel_loop3A_328 = arith.constant 48 : index
        %parallel_loop3A_329 = tpu.vector_load %arg9[%parallel_loop3A_327, %parallel_loop3A_328] {strides = array<i32>} : memref<128x128xf32, #tpu.memory_space<vmem>>, vector<16xf32>,
        %parallel_loop3A_330 = arith.constant 8.000000e+00 : f32
        %parallel_loop3A_331 = vector.broadcast %parallel_loop3A_330 : f32 to vector<16xf32>
        %parallel_loop3A_332 = arith.mulf %parallel_loop3A_329, %parallel_loop3A_331 : vector<16xf32>
        tpu.vector_store_idx %arg11[%shift_right_arithmetic3A_23, %and3A_46, %parallel_loop3A_308], %parallel_loop3A_332 : memref<8x8x133xf32, #tpu.memory_space<vmem>>[vector<16xi32>, vector<16xi32>, vector<16xi32>], vector<16xf32>,
      } {sc.loop_unroll_factor = 4 : i64, sc.parallel_access}
      %dma_start3A_289 = arith.constant 0 : i32
      %dma_start3A_290 = arith.constant 0 : i32
      %dma_start3A_291 = arith.constant 0 : i32
      %dma_start3A_292 = tpu.memref_slice %arg11[%dma_start3A_289, %dma_start3A_290, %dma_start3A_291] : memref<8x8x133xf32, #tpu.memory_space<vmem>> -> memref<8x8x128xf32, #tpu.memory_space<vmem>>
      %dma_start3A_293 = arith.constant 0 : i32
      %dma_start3A_294 = arith.constant 0 : i32
      %dma_start3A_295 = arith.constant 0 : i32
      %dma_start3A_296 = tpu.memref_slice %arg4[%add3A_272, %dma_start3A_293, %add3A, %dma_start3A_294, %dma_start3A_295] : memref<200x8x32x8x128xf32, #tpu.memory_space<hbm>> -> memref<1x8x1x8x128xf32, #tpu.memory_space<hbm>>
      %dma_start3A_297 = tpu.memref_squeeze %dma_start3A_296 : memref<1x8x1x8x128xf32, #tpu.memory_space<hbm>> -> memref<8x8x128xf32, #tpu.memory_space<hbm>>
      %dma_start3A_298 = arith.constant 0 : i32
      %dma_start3A_299 = arith.constant 0 : i32
      %dma_start3A_300 = arith.constant 0 : i32
      %dma_start3A_301 = tpu.memref_slice %arg4[%add3A_272, %dma_start3A_298, %add3A, %dma_start3A_299, %dma_start3A_300] : memref<200x8x32x8x128xf32, #tpu.memory_space<hbm>> -> memref<1x8x1x8x128xf32, #tpu.memory_space<hbm>>
      %dma_start3A_302 = tpu.memref_squeeze %dma_start3A_301 : memref<1x8x1x8x128xf32, #tpu.memory_space<hbm>> -> memref<8x8x128xf32, #tpu.memory_space<hbm>>
      %dma_start3A_303 = arith.constant 0 : i32
      %dma_start3A_304 = arith.constant 0 : i32
      %dma_start3A_305 = arith.constant 0 : i32
      %dma_start3A_306 = tpu.memref_slice %arg11[%dma_start3A_303, %dma_start3A_304, %dma_start3A_305] : memref<8x8x133xf32, #tpu.memory_space<vmem>> -> memref<8x8x128xf32, #tpu.memory_space<vmem>>
      tpu.enqueue_dma source(%dma_start3A_306 : memref<8x8x128xf32, #tpu.memory_space<vmem>>) target(%dma_start3A_302 : memref<8x8x128xf32, #tpu.memory_space<hbm>>) target_semaphore(%arg15 : memref<!tpu.dma_semaphore, #tpu.memory_space<semaphore_mem>>)
    }
    %scan3A_197 = arith.constant 100 : i32
    %dma_wait3A = arith.constant 198 : i32
    %dma_wait3A_198 = arith.constant 0 : i32
    %dma_wait3A_199 = arith.constant 0 : i32
    %dma_wait3A_200 = arith.constant 0 : i32
    %dma_wait3A_201 = tpu.memref_slice %arg10[%dma_wait3A_198, %dma_wait3A_199, %dma_wait3A_200] : memref<8x8x133xf32, #tpu.memory_space<vmem>> -> memref<8x8x128xf32, #tpu.memory_space<vmem>>
    %dma_wait3A_202 = arith.constant 0 : i32
    %dma_wait3A_203 = arith.constant 0 : i32
    %dma_wait3A_204 = arith.constant 0 : i32
    %dma_wait3A_205 = tpu.memref_slice %arg4[%dma_wait3A, %dma_wait3A_202, %add3A, %dma_wait3A_203, %dma_wait3A_204] : memref<200x8x32x8x128xf32, #tpu.memory_space<hbm>> -> memref<1x8x1x8x128xf32, #tpu.memory_space<hbm>>
    %dma_wait3A_206 = tpu.memref_squeeze %dma_wait3A_205 : memref<1x8x1x8x128xf32, #tpu.memory_space<hbm>> -> memref<8x8x128xf32, #tpu.memory_space<hbm>>
    %dma_wait3A_207 = arith.constant 0 : i32
    %dma_wait3A_208 = arith.constant 0 : i32
    %dma_wait3A_209 = arith.constant 0 : i32
    %dma_wait3A_210 = tpu.memref_slice %arg4[%dma_wait3A, %dma_wait3A_207, %add3A, %dma_wait3A_208, %dma_wait3A_209] : memref<200x8x32x8x128xf32, #tpu.memory_space<hbm>> -> memref<1x8x1x8x128xf32, #tpu.memory_space<hbm>>
    %dma_wait3A_211 = tpu.memref_squeeze %dma_wait3A_210 : memref<1x8x1x8x128xf32, #tpu.memory_space<hbm>> -> memref<8x8x128xf32, #tpu.memory_space<hbm>>
    %dma_wait3A_212 = arith.constant 0 : i32
    %dma_wait3A_213 = arith.constant 0 : i32
    %dma_wait3A_214 = arith.constant 0 : i32
    %dma_wait3A_215 = tpu.memref_slice %arg10[%dma_wait3A_212, %dma_wait3A_213, %dma_wait3A_214] : memref<8x8x133xf32, #tpu.memory_space<vmem>> -> memref<8x8x128xf32, #tpu.memory_space<vmem>>
    tpu.wait_dma2 semaphore(%arg14 : memref<!tpu.dma_semaphore, #tpu.memory_space<semaphore_mem>>) src(%dma_wait3A_215 : memref<8x8x128xf32, #tpu.memory_space<vmem>>) dst(%dma_wait3A_211 : memref<8x8x128xf32, #tpu.memory_space<hbm>>)
    %dma_wait3A_216 = arith.constant 199 : i32
    %dma_wait3A_217 = arith.constant 0 : i32
    %dma_wait3A_218 = arith.constant 0 : i32
    %dma_wait3A_219 = arith.constant 0 : i32
    %dma_wait3A_220 = tpu.memref_slice %arg11[%dma_wait3A_217, %dma_wait3A_218, %dma_wait3A_219] : memref<8x8x133xf32, #tpu.memory_space<vmem>> -> memref<8x8x128xf32, #tpu.memory_space<vmem>>
    %dma_wait3A_221 = arith.constant 0 : i32
    %dma_wait3A_222 = arith.constant 0 : i32
    %dma_wait3A_223 = arith.constant 0 : i32
    %dma_wait3A_224 = tpu.memref_slice %arg4[%dma_wait3A_216, %dma_wait3A_221, %add3A, %dma_wait3A_222, %dma_wait3A_223] : memref<200x8x32x8x128xf32, #tpu.memory_space<hbm>> -> memref<1x8x1x8x128xf32, #tpu.memory_space<hbm>>
    %dma_wait3A_225 = tpu.memref_squeeze %dma_wait3A_224 : memref<1x8x1x8x128xf32, #tpu.memory_space<hbm>> -> memref<8x8x128xf32, #tpu.memory_space<hbm>>
    %dma_wait3A_226 = arith.constant 0 : i32
    %dma_wait3A_227 = arith.constant 0 : i32
    %dma_wait3A_228 = arith.constant 0 : i32
    %dma_wait3A_229 = tpu.memref_slice %arg4[%dma_wait3A_216, %dma_wait3A_226, %add3A, %dma_wait3A_227, %dma_wait3A_228] : memref<200x8x32x8x128xf32, #tpu.memory_space<hbm>> -> memref<1x8x1x8x128xf32, #tpu.memory_space<hbm>>
    %dma_wait3A_230 = tpu.memref_squeeze %dma_wait3A_229 : memref<1x8x1x8x128xf32, #tpu.memory_space<hbm>> -> memref<8x8x128xf32, #tpu.memory_space<hbm>>
    %dma_wait3A_231 = arith.constant 0 : i32
    %dma_wait3A_232 = arith.constant 0 : i32
    %dma_wait3A_233 = arith.constant 0 : i32
    %dma_wait3A_234 = tpu.memref_slice %arg11[%dma_wait3A_231, %dma_wait3A_232, %dma_wait3A_233] : memref<8x8x133xf32, #tpu.memory_space<vmem>> -> memref<8x8x128xf32, #tpu.memory_space<vmem>>
    tpu.wait_dma2 semaphore(%arg15 : memref<!tpu.dma_semaphore, #tpu.memory_space<semaphore_mem>>) src(%dma_wait3A_234 : memref<8x8x128xf32, #tpu.memory_space<vmem>>) dst(%dma_wait3A_230 : memref<8x8x128xf32, #tpu.memory_space<hbm>>)
    return
  }
}

</mosaic_0001>

<sc_bundles>
// kernel: _embed.3.cloned.1.call-start
scs
__scs_entry_jumppad:
0x0: {  	(pc) =	sbr.rel $0x88, $3  }
0x1: {  	(tag) =	ssettag $0x0;
	lr =	simm.s32 $0x1  }
0x2: {  	[smem:$0x3F9F] =	sst lr;
	_ =	strace $0xD0000000  }
0x3: {  	_ = 	snop  }
0x4: {  	_ = 	snop  }
0x5: {  	_ = 	snop  }
0x6: {  	_ = 	snop  }
0x7: {  	_ = 	snop  }
__scs_overlays_trampoline_lowered:
0x8: {  	[smem:$0x3FAE] =	sst s0  }
0x9: {  	[smem:$0x3FAF] =	sst s1  }
0xa: {  	[smem:$0x3FB0] =	sst s2  }
0xb: {  	[smem:$0x3FB1] =	sst s3  }
0xc: {  	[smem:$0x3FB2] =	sst s4  }
0xd: {  	[smem:$0x3FB3] =	sst s5  }
0xe: {  	[smem:$0x3FB4] =	sst s6  }
0xf: {  	[smem:$0x3FB5] =	sst s7  }
0x10: {  	[smem:$0x3FB6] =	sst s8  }
0x11: {  	[smem:$0x3FB7] =	sst s9;
	s0 =	simm.s32 @!p0 $0x0  }
0x12: {  	s1 =	sld [smem:$0x3F9D];
	s0 =	simm.s32 @p0 $0x1  }
0x13: {  	[smem:$0x3FB8] =	sst s0;
	s0 =	simm.s32 @!p1 $0x0  }
0x14: {  	s2 =	sld [smem:$0x3F9C];
	s0 =	simm.s32 @p1 $0x1  }
0x15: {  	[smem:$0x3FB9] =	sst s0;
	s0 =	simm.s32 @!p2 $0x0  }
0x16: {  	s3 =	sld [smem:$0x3FDB];
	s0 =	simm.s32 @p2 $0x1  }
0x17: {  	s4 =	simm.s32 $0x1BF5;
	[smem:$0x3FBB] =	sst s0  }
0x18: {  	s0 =	sld [smem:$0x3F9E];
	_ =	swait.ge [sflag:s4], $0x0  }
0x19: {  	s7 =	sld [smem:$0x3F9F]  }
0x1a: {  	s8 =	sadd.s32 $0xFFFFE003, lr  }
0x1b: {  	s9 =	sadd.s32 $0xFFFFFEF7, lr;
	s5 =	simm.s32 $0xFFFFFFFF;
	p2 =	slt.u32 s8, $0xFFFFF086  }
0x1c: {  	p1 =	slt.u32 s9, $0xF7A;
	s5 =	simm.s32 @!p2 $0x0  }
0x1d: {  	s5 =	simm.s32 @p1 $0x1;
	p0 =	seq.s32 s7, s2  }
0x1e: {  	s7 =	smul.u32 @!p0 $0xF7A, s2;
	p2 =	seq.s32 @!p0 s5, $0x0  }
0x1f: {  	s9 =	smul.u32 $0xF7A, s1;
	s8 =	simm.s32 @!p0 $0x1BF5;
	p2 =	por !p2, p0  }
0x20: {  	[sflag:s8] =	ssyncset.s32 @!p0 $0xFFFFF086;
	s6 =	sadd.s32 @!p0 s3, s7;
	s7 =	simm.s32 @!p0 $0x108  }
0x21: {  	s3 =	sadd.s32 s3, s9;
	s6 =	sadd.s32 @!p0 $0x88, s6;
	s7 =	simm.s32 @p2 $0x1082  }
0x22: {  	[simem:s7], [sflag:s8] =	dma.local @!p0 [hbm:s6], $0xF7A  }
0x23: {  	s9 =	sor.u32 $0xD0000000, s2;
	s6 =	simm.s32 $0x108;
	_ =	swait.ge @!p0 [sflag:s8], $0x0  }
0x24: {  	s3 =	sadd.s32 $0x88, s3;
	s6 =	simm.s32 @!p1 $0x1082;
	[sflag:s4] =	ssyncset.s32 $0xFFFFF086  }
0x25: {  	[simem:s6], [sflag:s4] =	dma.local [hbm:s3], $0xF7A  }
0x26: {  	[smem:$0x3F9F] =	sst s1;
	(tag) =	ssettag s2;
	_ =	strace s9  }
0x27: {  	s1 =	sld [smem:$0x3FAF]  }
0x28: {  	s2 =	sld [smem:$0x3FB0]  }
0x29: {  	s4 =	sld [smem:$0x3FB2]  }
0x2a: {  	p0 =	seq.s32 s5, $0x0;
	s5 =	sld [smem:$0x3FB3]  }
0x2b: {  	s6 =	sld [smem:$0x3FB4]  }
0x2c: {  	s7 =	sld [smem:$0x3FB5]  }
0x2d: {  	s3 =	simm.s32 $0x108;
	s8 =	sld [smem:$0x3FB6]  }
0x2e: {  	s3 =	simm.s32 @!p0 $0x1082;
	s9 =	sld [smem:$0x3FB7]  }
0x2f: {  	lr =	sadd.s32 s0, s3;
	s0 =	sld [smem:$0x3FAE]  }
0x30: {  	s3 =	sld [smem:$0x3FB1]  }
0x31: {  	[smem:$0x3FBA] =	sst s10  }
0x32: {  	s10 =	sld [smem:$0x3FB8];
	_ =	sdelay $0x3  }
0x33: {  	p0 =	seq.s32 s10, $0x1;
	s10 =	sld [smem:$0x3FBA];
	_ =	sdelay $0x3  }
0x34: {  	[smem:$0x3FBA] =	sst s10  }
0x35: {  	s10 =	sld [smem:$0x3FB9];
	_ =	sdelay $0x3  }
0x36: {  	p1 =	seq.s32 s10, $0x1;
	s10 =	sld [smem:$0x3FBA];
	_ =	sdelay $0x3  }
0x37: {  	[smem:$0x3FBA] =	sst s10  }
0x38: {  	s10 =	sld [smem:$0x3FBB]  }
0x39: {  	_ = 	snop;
	(pc) =	sbr.ind lr, $3  }
0x3a: {  	_ = 	snop  }
0x3b: {  	_ = 	snop  }
0x3c: {  	p2 =	seq.s32 s10, $0x1;
	s10 =	sld [smem:$0x3FBA]  }
0x3d: {  	_ =	shalt  }
0x3e: {  	_ =	shalt  }
0x3f: {  	_ =	shalt  }
0x40: {  	_ =	shalt  }
0x41: {  	_ =	shalt  }
0x42: {  	_ =	shalt  }
0x43: {  	_ =	shalt  }
0x44: {  	_ =	shalt  }
0x45: {  	_ =	shalt  }
0x46: {  	_ =	shalt  }
0x47: {  	_ =	shalt  }
0x48: {  	_ =	shalt  }
0x49: {  	_ =	shalt  }
0x4a: {  	_ =	shalt  }
0x4b: {  	_ =	shalt  }
0x4c: {  	_ =	shalt  }
0x4d: {  	_ =	shalt  }
0x4e: {  	_ =	shalt  }
0x4f: {  	_ =	shalt  }
0x50: {  	_ =	shalt  }
0x51: {  	_ =	shalt  }
0x52: {  	_ =	shalt  }
0x53: {  	_ =	shalt  }
0x54: {  	_ =	shalt  }
0x55: {  	_ =	shalt  }
0x56: {  	_ =	shalt  }
0x57: {  	_ =	shalt  }
0x58: {  	_ =	shalt  }
0x59: {  	_ =	shalt  }
0x5a: {  	_ =	shalt  }
0x5b: {  	_ =	shalt  }
0x5c: {  	_ =	shalt  }
0x5d: {  	_ =	shalt  }
0x5e: {  	_ =	shalt  }
0x5f: {  	_ =	shalt  }
0x60: {  	_ =	shalt  }
0x61: {  	_ =	shalt  }
0x62: {  	_ =	shalt  }
0x63: {  	_ =	shalt  }
0x64: {  	_ =	shalt  }
0x65: {  	_ =	shalt  }
0x66: {  	_ =	shalt  }
0x67: {  	_ =	shalt  }
0x68: {  	_ =	shalt  }
0x69: {  	_ =	shalt  }
0x6a: {  	_ =	shalt  }
0x6b: {  	_ =	shalt  }
0x6c: {  	_ =	shalt  }
0x6d: {  	_ =	shalt  }
0x6e: {  	_ =	shalt  }
0x6f: {  	_ =	shalt  }
0x70: {  	_ =	shalt  }
0x71: {  	_ =	shalt  }
0x72: {  	_ =	shalt  }
0x73: {  	_ =	shalt  }
0x74: {  	_ =	shalt  }
0x75: {  	_ =	shalt  }
0x76: {  	_ =	shalt  }
0x77: {  	_ =	shalt  }
0x78: {  	_ =	shalt  }
0x79: {  	_ =	shalt  }
0x7a: {  	_ =	shalt  }
0x7b: {  	_ =	shalt  }
0x7c: {  	_ =	shalt  }
0x7d: {  	_ =	shalt  }
0x7e: {  	_ =	shalt  }
0x7f: {  	_ =	shalt  }
0x80: {  	_ =	shalt  }
0x81: {  	_ =	shalt  }
0x82: {  	_ =	shalt  }
0x83: {  	_ =	shalt  }
0x84: {  	_ =	shalt  }
0x85: {  	_ =	shalt  }
0x86: {  	_ =	shalt  }
0x87: {  	_ =	shalt  }
.Lfunc_end0:
.L_simem_size_0:
called_computation_lowered:
.L_overlay_start_0:
0x88: {  	s2 =	sld [smem:$0x3FD9]  }
0x89: {  	s3 =	sld [smem:$0x3FFE];
	_ =	sdelay $0x1  }
0x8a: {  	s1 =	srdreg.scid  }
0x8b: {  	s0 =	sand.u32 $0x1, s1  }
0x8c: {  	s18 =	sshll.u32 s0, $0xA;
	s2 =	sadd.s32 s3, s2  }
0x8d: {  	s2 =	sadd.s32 s2, s18  }
0x8e: {  	[smem:$0x3FC6] =	sst s2  }
0x8f: {  	_ = 	snop  }
0x90: {  	s2 =	sld [smem:$0x3FC9]  }
0x91: {  	s19 =	sld [smem:$0x3FC8]  }
0x92: {  	s4 =	sld [smem:$0x3FD0];
	(tm) =	ssettm $0x1  }
0x93: {  	s5 =	sld [smem:$0x3FFB];
	_ =	sdelay $0x3  }
0x94: {  	_ =	strace s5  }
0x95: {  	s5 =	sld [smem:$0x3FFC];
	_ =	sdelay $0x3  }
0x96: {  	_ =	strace s5  }
0x97: {  	s5 =	sld [smem:$0x3FFD];
	_ =	sdelay $0x3  }
0x98: {  	_ =	strace s5  }
0x99: {  	_ =	strace $0x8FFFFFFF  }
0x9a: {  	s20 =	sld [smem:$0x3FDB];
	_ =	sdelay $0x1  }
0x9b: {  	s6 =	simm.s32 $_scs_section_size  }
0x9c: {  	s7 =	simm.s32 $_size__tile_overlayer_lowered;
	s8 =	simm.s32 $_tile_overlayer_lowered  }
0x9d: {  	s23 =	simm.s32 $0x1BFF;
	s22 =	sshll.u32 s8, $0x1;
	s5 =	sadd.s32 s6, s20  }
0x9e: {  	s9 =	simm.s32 $0x0;
	s21 =	sshll.u32 s7, $0x1;
	s7 =	sadd.s32 s22, s5  }
0x9f: {  	[timem:s9], [sflag:s23] =	dma.local [hbm:s7], s21  }
0xa0: {  	_ =	swait.ge [sflag:s23], s21  }
0xa1: {  	s6 =	ssub.s32 $0x0, s21;
	[sflag:s23] =	ssyncset.done $0x0  }
0xa2: {  	[sflag:s23] =	ssyncadd.s32 s6;
	_ =	sdelay $0x1  }
0xa3: {  	s24 =	simm.s32 $0x1B8B  }
0xa4: {  	_ =	swait.ge [sflag:s24], $0x1  }
0xa5: {  	[sflag:s24] =	ssyncset.done $0x0  }
0xa6: {  	s25 =	simm.s32 $0x1B8E;
	[sflag:s24] =	ssyncadd.s32 $0xFFFFFFFF  }
0xa7: {  	s26 =	simm.s32 $execute0_lowered;
	[smem:$0x3FD2] =	sst s25  }
0xa8: {  	s6 =	sshll.u32 s26, $0x1;
	_ =	strace $0x80000046;
	[dreg:$0x1] =	wrdreg $0xFFFFFFFF  }
0xa9: {  	s28 =	simm.s32 $_size_execute0_lowered;
	s5 =	sadd.s32 s5, s6;
	[dreg:$0x0] =	wrdreg $0x0  }
0xaa: {  	s6 =	sshll.u32 s28, $0x1;
	[dreg:$0x2] =	wrdreg s5  }
0xab: {  	[dreg:$0x3] =	wrdreg s6  }
0xac: {  	[dreg:$0x4] =	wrdreg $0xC0  }
0xad: {  	_ =	task [dreg:s9], $0x5FFFF  }
0xae: {  	[dreg:$0x1] =	wrdreg $0xFFFFFFFF  }
0xaf: {  	[dreg:$0x0] =	wrdreg $0x60  }
0xb0: {  	[dreg:$0x2] =	wrdreg s2  }
0xb1: {  	[dreg:$0x3] =	wrdreg s19  }
0xb2: {  	[dreg:$0x4] =	wrdreg s4  }
0xb3: {  	[dreg:$0x5] =	wrdreg $0x9  }
0xb4: {  	_ =	task.clear_ibuf [dreg:s9], $0x6FFFF;
	_ =	strace $0x90000046  }
0xb5: {  	s29 =	simm.s32 $0x9;
	_ =	strace $0x80000048  }
0xb6: {  	_ =	swait.ge [sflag:s29], $0x1  }
0xb7: {  	[sflag:s29] =	ssyncadd.s32 $0xFFFFFFFF  }
0xb8: {  	_ =	strace $0x90000048  }
0xb9: {  	_ =	sfence  }
0xba: {  	s30 =	sld [smem:$0x0];
	_ =	sdelay $0x2  }
0xbb: {  	s31 =	sshll.u32 s1, $0xD;
	s1 =	sshrl.u32 s1, $0x2  }
0xbc: {  	s3 =	sand.u32 $0x4000, s31;
	s1 =	sadd.s32 s1, s30  }
0xbd: {  	s0 =	sor.u32 s3, s0;
	s1 =	sshll.u32 s1, $0x11  }
0xbe: {  	s0 =	sor.u32 s1, s0  }
0xbf: {  	s0 =	sadd.s32 $0x8F2B, s0  }
0xc0: {  	[sflag:s0] =	ssyncadd.remote.s32 $0x1  }
0xc1: {  	_ =	sfence.sel $0xFFFF  }
0xc2: {  	[dreg:$0x0] =	wrdreg $0xFFFFFFFF;
	(pc) =	sbr.abs _section_cstart, $3  }
0xc3: {  	[dreg:$0x1] =	wrdreg $0xFFFFFFFF  }
0xc4: {  	_ =	task.clear_ibuf [dreg:s9], $0x2FFFF;
	_ =	strace $0x9FFFFFFF  }
0xc5: {  	(tm) =	ssettm $0x7FFFFFFF  }
tec
execute0_lowered:
.L_overlay_start_1:
0x0: {  	(tag) =	ssettag $0x1  }
0x1: {  	v0 =	vimm.s32 $0xB80  }
0x2: {  	vm14 =	vcmask $0x300;
	vm13 =	vcmask $0x704;
	vm12 =	vcmask $0xB08  }
0x3: {  	vm11 =	vcmask $0xF0C;
	vm10 =	vcmask $0x1310;
	vm9 =	vcmask $0x1714  }
0x4: {  	vm8 =	vcmask $0x1B18;
	v1 =	vlaneseq.u32;
	vm7 =	vcmask $0x1F1C  }
0x5: {  	vm6 =	vcmask $0x2320;
	vm5 =	vcmask $0x2724;
	vm4 =	vcmask $0x2B28  }
0x6: {  	vm3 =	vcmask $0x2F2C;
	vm2 =	vcmask $0x3330;
	vm1 =	vcmask $0x3734  }
0x7: {  	vm0 =	vcmask $0x3B38;
	v9 =	vimm.s32 $0x1B80;
	v10 =	vimm.s32 $0x2B80  }
0x8: {  	v11 =	vimm.s32 $0x3B80;
	v0 =	vsel vm14, $0x0, v0;
	v9 =	vsel vm14, $0x1000, v9  }
0x9: {  	v10 =	vsel vm14, $0x2000, v10;
	v11 =	vsel vm14, $0x3000, v11;
	v0 =	vsel vm13, $0x80, v0  }
0xa: {  	v9 =	vsel vm13, $0x1080, v9;
	v10 =	vsel vm13, $0x2080, v10;
	v11 =	vsel vm13, $0x3080, v11  }
0xb: {  	v0 =	vsel vm12, $0x100, v0;
	v9 =	vsel vm12, $0x1100, v9;
	v10 =	vsel vm12, $0x2100, v10  }
0xc: {  	v11 =	vsel vm12, $0x3100, v11;
	v0 =	vsel vm11, $0x180, v0;
	v9 =	vsel vm11, $0x1180, v9  }
0xd: {  	v10 =	vsel vm11, $0x2180, v10;
	v11 =	vsel vm11, $0x3180, v11;
	v0 =	vsel vm10, $0x200, v0  }
0xe: {  	v9 =	vsel vm10, $0x1200, v9;
	v10 =	vsel vm10, $0x2200, v10;
	v11 =	vsel vm10, $0x3200, v11  }
0xf: {  	v0 =	vsel vm9, $0x280, v0;
	v9 =	vsel vm9, $0x1280, v9;
	v10 =	vsel vm9, $0x2280, v10  }
0x10: {  	v11 =	vsel vm9, $0x3280, v11;
	v2 =	vsel vm8, $0x300, v0;
	v0 =	vmul.u32 $0xC8, v1  }
0x11: {  	v9 =	vsel vm8, $0x1300, v9;
	v10 =	vsel vm8, $0x2300, v10;
	v11 =	vsel vm8, $0x3300, v11  }
0x12: {  	s2 =	rddreg [dreg:$0x0];
	v1 =	vsel vm7, $0x380, v2;
	v9 =	vsel vm7, $0x1380, v9;
	v10 =	vsel vm7, $0x2380, v10  }
0x13: {  	s0 =	rddreg [dreg:$0x1];
	v11 =	vsel vm7, $0x3380, v11;
	v2 =	vsel vm6, $0x800, v1;
	v1 =	vadd.s32 $0xC80, v0  }
0x14: {  	s1 =	rddreg [dreg:$0x2];
	s3 =	srdreg.scid;
	v7 =	vadd.s32 $0x5780, v0;
	v9 =	vsel vm6, $0x1800, v9;
	v10 =	vsel vm6, $0x2800, v10  }
0x15: {  	s4 =	stileid.u32;
	s12 =	simm.s32 $0x1;
	s15 =	simm.s32 $0xE500;
	v11 =	vsel vm6, $0x3800, v11;
	v3 =	vsel vm5, $0x880, v2;
	v2 =	vadd.s32 $0x1900, v0  }
0x16: {  	s21 =	simm.s32 $0x11500;
	s22 =	simm.s32 $0x11D00;
	s23 =	simm.s32 $0x2;
	v9 =	vsel vm5, $0x1880, v9;
	v10 =	vsel vm5, $0x2880, v10;
	v11 =	vsel vm5, $0x3880, v11  }
0x17: {  	s24 =	simm.s32 $0x12500;
	s28 =	simm.s32 $0x13D00;
	s29 =	simm.s32 $0x14500;
	v4 =	vsel vm4, $0x900, v3;
	v3 =	vadd.s32 $0x2580, v0;
	v9 =	vsel vm4, $0x1900, v9  }
0x18: {  	s30 =	simm.s32 $0x14D00;
	s3 =	sand.u32 $0x1, s3;
	s5 =	sshll.u32 s4, $0x1;
	v10 =	vsel vm4, $0x2900, v10;
	v11 =	vsel vm4, $0x3900, v11;
	v5 =	vsel vm3, $0x980, v4  }
0x19: {  	s4 =	simm.s32 $0x0;
	s6 =	ssub.s32 $0x2, s3;
	s3 =	sor.u32 s3, s5;
	v4 =	vadd.s32 $0x3200, v0;
	v9 =	vsel vm3, $0x1980, v9;
	v10 =	vsel vm3, $0x2980, v10  }
0x1a: {  	[smem:$0x7FF] =	sst s4;
	s25 =	sshrl.u32 s6, $0x1;
	s7 =	smul.u32 $0xC80, s3;
	v11 =	vsel vm3, $0x3980, v11;
	v6 =	vsel vm2, $0xA00, v5;
	v5 =	vadd.s32 $0x3E80, v0  }
0x1b: {  	s31 =	simm.s32 $0x15500;
	_ =	strace $0x80000047;
	s5 =	ssub.s32 s6, s25;
	v9 =	vsel vm2, $0x1A00, v9;
	v10 =	vsel vm2, $0x2A00, v10;
	v11 =	vsel vm2, $0x3A00, v11  }
0x1c: {  	s6 =	sshll.u32 s3, $0xA;
	s25 =	simm.s32 $0x12D00;
	s2 =	sadd.s32 s2, s7;
	v8 =	vsel vm1, $0xA80, v6;
	v6 =	vadd.s32 $0x4B00, v0;
	v9 =	vsel vm1, $0x1A80, v9  }
0x1d: {  	s3 =	simm.s32 $0x15D00;
	s26 =	smax.u32 s5, $0x1;
	[dreg:$0x4] =	wrdreg s2;
	v10 =	vsel vm1, $0x2A80, v10;
	v11 =	vsel vm1, $0x3A80, v11;
	v8 =	vsel vm0, $0xB00, v8  }
0x1e: {  	s7 =	simm.s32 $0x0;
	[dreg:$0x5] =	wrdreg s26;
	s26 =	simm.s32 $0x13500;
	v9 =	vsel vm0, $0x1B00, v9;
	v10 =	vsel vm0, $0x2B00, v10;
	v11 =	vsel vm0, $0x3B00, v11  }
.LBB2_1:
0x1f: {  	[dreg:$0x6] =	wrdreg s7  }
0x20: {  	s2 =	rddreg [dreg:$0x4];
	s18 =	simm.s32 $0x5  }
0x21: {  	[tilespmem:s4], [sflag:$0x5] =	stream.linear.gather [hbm4b:s2+s4], $0x6400, $0x38;
	[tilespmem:$0x16500] =	vst v63  }
0x22: {  	_ =	swait.ge [sflag:s18], $0x6400  }
0x23: {  	[sflag:s18] =	ssyncset.done $0x0  }
0x24: {  	[sflag:s18] =	ssyncadd.s32 $0xFFFF9C00  }
0x25: {  	v12 =	vld.idx.msk [tilespmem:v0+s4+$0x0], $0xffff;
	_ =	sdelay $0x4  }
0x26: {  	[tilespmem:$0x6400] =	vst v12  }
0x27: {  	v12 =	vld.idx.msk [tilespmem:v1+s4+$0x0], $0xffff;
	_ =	sdelay $0x4  }
0x28: {  	[tilespmem:$0x6410] =	vst v12  }
0x29: {  	v12 =	vld.idx.msk [tilespmem:v2+s4+$0x0], $0xffff;
	_ =	sdelay $0x4  }
0x2a: {  	[tilespmem:$0x6420] =	vst v12  }
0x2b: {  	v12 =	vld.idx.msk [tilespmem:v3+s4+$0x0], $0xffff;
	_ =	sdelay $0x4  }
0x2c: {  	[tilespmem:$0x6430] =	vst v12  }
0x2d: {  	v12 =	vld.idx.msk [tilespmem:v4+s4+$0x0], $0xffff;
	_ =	sdelay $0x4  }
0x2e: {  	[tilespmem:$0x6440] =	vst v12  }
0x2f: {  	v12 =	vld.idx.msk [tilespmem:v5+s4+$0x0], $0xffff;
	_ =	sdelay $0x4  }
0x30: {  	[tilespmem:$0x6450] =	vst v12  }
0x31: {  	v12 =	vld.idx.msk [tilespmem:v6+s4+$0x0], $0xffff;
	_ =	sdelay $0x4  }
0x32: {  	[tilespmem:$0x6460] =	vst v12  }
0x33: {  	v12 =	vld.idx.msk [tilespmem:v7+s4+$0x0], $0xffff;
	_ =	sdelay $0x4  }
0x34: {  	s19 =	simm.s32 $0x80;
	s5 =	simm.s32 $0x6400;
	s20 =	simm.s32 $0x6500;
	[tilespmem:$0x6470] =	vst v12  }
0x35: {  	[tilespmem:s20], [sflag:$0x1] =	stream.indirect.gather [hbm4b:s0+s19], $0x80, s5, s19, $0xb8;
	[tilespmem:$0x16500] =	vst v63  }
0x36: {  	s5 =	simm.s32 $0x0  }
.LBB2_2:
0x37: {  	s7 =	sshllo.u32 s5, $0x1  }
0x38: {  	v12 =	vadd.s32 s7, v0;
	_ =	sdelay $0x1  }
0x39: {  	_ =	swait.ge [sflag:s12], $0x4000  }
0x3a: {  	[sflag:s12] =	ssyncset.done $0x0  }
0x3b: {  	[sflag:s12] =	ssyncadd.s32 $0xFFFFC000  }
0x3c: {  	v12 =	vld.idx.msk [tilespmem:v12+s4+$0x0], $0xffff  }
0x3d: {  	v13 =	vadd.s32 s7, v1;
	_ =	sdelay $0x3  }
0x3e: {  	[tilespmem:$0x6480] =	vst v12  }
0x3f: {  	v12 =	vld.idx.msk [tilespmem:v13+s4+$0x0], $0xffff  }
0x40: {  	v13 =	vadd.s32 s7, v2;
	_ =	sdelay $0x3  }
0x41: {  	[tilespmem:$0x6490] =	vst v12  }
0x42: {  	v12 =	vld.idx.msk [tilespmem:v13+s4+$0x0], $0xffff  }
0x43: {  	v13 =	vadd.s32 s7, v3;
	_ =	sdelay $0x3  }
0x44: {  	[tilespmem:$0x64A0] =	vst v12  }
0x45: {  	v12 =	vld.idx.msk [tilespmem:v13+s4+$0x0], $0xffff  }
0x46: {  	v13 =	vadd.s32 s7, v4;
	_ =	sdelay $0x3  }
0x47: {  	[tilespmem:$0x64B0] =	vst v12  }
0x48: {  	v12 =	vld.idx.msk [tilespmem:v13+s4+$0x0], $0xffff  }
0x49: {  	v13 =	vadd.s32 s7, v5;
	_ =	sdelay $0x3  }
0x4a: {  	[tilespmem:$0x64C0] =	vst v12  }
0x4b: {  	v12 =	vld.idx.msk [tilespmem:v13+s4+$0x0], $0xffff  }
0x4c: {  	v13 =	vadd.s32 s7, v6;
	_ =	sdelay $0x3  }
0x4d: {  	[tilespmem:$0x64D0] =	vst v12  }
0x4e: {  	v12 =	vld.idx.msk [tilespmem:v13+s4+$0x0], $0xffff  }
0x4f: {  	v13 =	vadd.s32 s7, v7;
	_ =	sdelay $0x3  }
0x50: {  	[tilespmem:$0x64E0] =	vst v12  }
0x51: {  	v12 =	vld.idx.msk [tilespmem:v13+s4+$0x0], $0xffff;
	_ =	sdelay $0x3  }
0x52: {  	s2 =	simm.s32 $0x80  }
0x53: {  	s8 =	simm.s32 $0x6480;
	s9 =	simm.s32 $0xA500;
	p0 =	seq.s32 s5, $0x0;
	[tilespmem:$0x64F0] =	vst v12  }
0x54: {  	[tilespmem:s9], [sflag:$0x2] =	stream.indirect.gather [hbm4b:s0+s2], $0x80, s8, s2, $0xb8;
	[tilespmem:$0x16500] =	vst v63  }
0x55: {  	s2 =	simm.s32 @!p0 $0x3  }
0x56: {  	_ =	swait.ge @!p0 [sflag:s2], $0x2000  }
0x57: {  	[sflag:s2] =	ssyncset.done @!p0 $0x0  }
0x58: {  	s10 =	simm.s32 $0x6600;
	[sflag:s2] =	ssyncadd.s32 @!p0 $0xFFFFE000  }
0x59: {  	v12 =	vld [tilespmem:s10+$0x80]  }
0x5a: {  	s16 =	simm.s32 $0x3  }
0x5b: {  	v13 =	vor.u32 s16, v8;
	_ =	sdelay $0x1  }
0x5c: {  	v14 =	vld [tilespmem:s10+$0xFFFFFF00]  }
0x5d: {  	s17 =	simm.s32 $0x0;
	v15 =	vld [tilespmem:s10+$0xFFFFFF80];
	v12 =	vmul.f32 $8.000000000e+00, v12  }
0x5e: {  	s18 =	simm.s32 $0x1;
	v17 =	vor.u32 s17, v8;
	v16 =	vld [tilespmem:s10+$0x0]  }
0x5f: {  	s20 =	simm.s32 $0x2;
	v18 =	vor.u32 s18, v8;
	[tilespmem:v13+s15+$0x0] =	vst.idx.msk $0xffff, v12  }
0x60: {  	v12 =	vor.u32 s20, v8;
	v13 =	vld [tilespmem:s10+$0x90]  }
0x61: {  	v14 =	vmul.f32 $8.000000000e+00, v14  }
0x62: {  	v19 =	vor.u32 s16, v9;
	v15 =	vmul.f32 $8.000000000e+00, v15  }
0x63: {  	v16 =	vmul.f32 $8.000000000e+00, v16;
	[tilespmem:v17+s15+$0x0] =	vst.idx.msk $0xffff, v14  }
0x64: {  	[tilespmem:v18+s15+$0x0] =	vst.idx.msk $0xffff, v15;
	v14 =	vld [tilespmem:s10+$0xFFFFFF10]  }
0x65: {  	v15 =	vld [tilespmem:s10+$0xFFFFFF90];
	[tilespmem:v12+s15+$0x0] =	vst.idx.msk $0xffff, v16;
	v12 =	vmul.f32 $8.000000000e+00, v13  }
0x66: {  	s8 =	simm.s32 $0x6800;
	v16 =	vor.u32 s17, v9;
	v13 =	vld [tilespmem:s10+$0x10]  }
0x67: {  	v17 =	vor.u32 s18, v9;
	[tilespmem:v19+s15+$0x0] =	vst.idx.msk $0xffff, v12;
	v12 =	vld [tilespmem:s8+$0x80]  }
0x68: {  	s11 =	simm.s32 $0x7;
	v18 =	vor.u32 s20, v9;
	v19 =	vld [tilespmem:s10+$0xA0]  }
0x69: {  	v21 =	vor.u32 s11, v8;
	v20 =	vld [tilespmem:s8+$0xFFFFFF80];
	v14 =	vmul.f32 $8.000000000e+00, v14  }
0x6a: {  	v23 =	vor.u32 s16, v10;
	s2 =	simm.s32 $0x5;
	v22 =	vld [tilespmem:s8+$0x0];
	v15 =	vmul.f32 $8.000000000e+00, v15  }
0x6b: {  	s13 =	simm.s32 $0x6;
	[tilespmem:v16+s15+$0x0] =	vst.idx.msk $0xffff, v14;
	v14 =	vld [tilespmem:s8+$0xFFFFFF00];
	v16 =	vor.u32 s2, v8;
	v13 =	vmul.f32 $8.000000000e+00, v13  }
0x6c: {  	s14 =	simm.s32 $0x4;
	[tilespmem:v17+s15+$0x0] =	vst.idx.msk $0xffff, v15;
	v15 =	vor.u32 s13, v8;
	v17 =	vld [tilespmem:s10+$0xFFFFFF20];
	v12 =	vmul.f32 $8.000000000e+00, v12  }
0x6d: {  	[tilespmem:v18+s15+$0x0] =	vst.idx.msk $0xffff, v13;
	v13 =	vor.u32 s14, v8;
	v18 =	vld [tilespmem:s10+$0xFFFFFFA0];
	v19 =	vmul.f32 $8.000000000e+00, v19  }
0x6e: {  	v20 =	vmul.f32 $8.000000000e+00, v20;
	[tilespmem:v21+s15+$0x0] =	vst.idx.msk $0xffff, v12;
	v12 =	vor.u32 s17, v10;
	v21 =	vld [tilespmem:s10+$0x20]  }
0x6f: {  	v25 =	vor.u32 s18, v10;
	v22 =	vmul.f32 $8.000000000e+00, v22;
	v24 =	vld [tilespmem:s8+$0x90];
	[tilespmem:v23+s15+$0x0] =	vst.idx.msk $0xffff, v19  }
0x70: {  	v14 =	vmul.f32 $8.000000000e+00, v14;
	[tilespmem:v16+s15+$0x0] =	vst.idx.msk $0xffff, v20;
	v16 =	vor.u32 s20, v10;
	v19 =	vld [tilespmem:s10+$0xB0]  }
0x71: {  	[tilespmem:v15+s15+$0x0] =	vst.idx.msk $0xffff, v22;
	v15 =	vor.u32 s11, v9;
	v23 =	vld [tilespmem:s8+$0xFFFFFF90];
	v17 =	vmul.f32 $8.000000000e+00, v17  }
0x72: {  	v22 =	vld [tilespmem:s8+$0x10];
	[tilespmem:v13+s15+$0x0] =	vst.idx.msk $0xffff, v14;
	v13 =	vmul.f32 $8.000000000e+00, v18;
	v18 =	vor.u32 s16, v11  }
0x73: {  	v27 =	vor.u32 s2, v9;
	v26 =	vld [tilespmem:s8+$0xFFFFFF10];
	[tilespmem:v12+s15+$0x0] =	vst.idx.msk $0xffff, v17;
	v17 =	vmul.f32 $8.000000000e+00, v21  }
0x74: {  	v20 =	vor.u32 s13, v9;
	[tilespmem:v25+s15+$0x0] =	vst.idx.msk $0xffff, v13;
	v21 =	vmul.f32 $8.000000000e+00, v24;
	v14 =	vld [tilespmem:s10+$0xFFFFFF30]  }
0x75: {  	v12 =	vld [tilespmem:s10+$0xFFFFFFB0];
	[tilespmem:v16+s15+$0x0] =	vst.idx.msk $0xffff, v17;
	v19 =	vmul.f32 $8.000000000e+00, v19;
	v17 =	vor.u32 s14, v9  }
0x76: {  	s16 =	simm.s32 $0x6A00;
	v63 =	vmul.f32 $8.000000000e+00, v23;
	v16 =	vor.u32 s17, v11;
	[tilespmem:v15+s15+$0x0] =	vst.idx.msk $0xffff, v21;
	v13 =	vld [tilespmem:s10+$0x30]  }
0x77: {  	s19 =	simm.s32 $0xC;
	v23 =	vmul.f32 $8.000000000e+00, v22;
	v21 =	vld [tilespmem:s16+$0x80];
	[tilespmem:v18+s15+$0x0] =	vst.idx.msk $0xffff, v19;
	v18 =	vor.u32 s18, v11  }
0x78: {  	s17 =	simm.s32 $0x8;
	s10 =	sshll.u32 s5, $0x1;
	[tilespmem:v27+s15+$0x0] =	vst.idx.msk $0xffff, v63;
	s18 =	simm.s32 $0xB;
	v22 =	vmul.f32 $8.000000000e+00, v26;
	v15 =	vld [tilespmem:s8+$0xA0];
	v19 =	vor.u32 s20, v11  }
.LBB2_3:
0x79: {  	p1 =	slt.u32 s19, $0x7C;
	v24 =	vld [tilespmem:s16+$0xFFFFFF80];
	v25 =	vor.u32 s18, v8;
	[tilespmem:v20+s15+$0x0] =	vst.idx.msk $0xffff, v23;
	v14 =	vmul.f32 $8.000000000e+00, v14  }
0x7a: {  	s20 =	sadd.s32 $0x1, s17;
	v20 =	vld [tilespmem:s16+$0x0];
	[tilespmem:v17+s15+$0x0] =	vst.idx.msk $0xffff, v22;
	v17 =	vor.u32 s11, v10;
	v12 =	vmul.f32 $8.000000000e+00, v12  }
0x7b: {  	s9 =	sadd.s32 $0x2, s17;
	v23 =	vor.u32 s20, v8;
	v22 =	vld [tilespmem:s16+$0xFFFFFF00];
	[tilespmem:v16+s15+$0x0] =	vst.idx.msk $0xffff, v14;
	v13 =	vmul.f32 $8.000000000e+00, v13  }
0x7c: {  	v14 =	vor.u32 s9, v8;
	v16 =	vmul.f32 $8.000000000e+00, v21;
	v21 =	vld [tilespmem:s8+$0xFFFFFF20];
	[tilespmem:v18+s15+$0x0] =	vst.idx.msk $0xffff, v12  }
0x7d: {  	v12 =	vor.u32 s17, v8;
	v18 =	vld [tilespmem:s8+$0xFFFFFFA0];
	v15 =	vmul.f32 $8.000000000e+00, v15;
	[tilespmem:v19+s15+$0x0] =	vst.idx.msk $0xffff, v13  }
0x7e: {  	v13 =	vmul.f32 $8.000000000e+00, v24;
	[tilespmem:v25+s15+$0x0] =	vst.idx.msk $0xffff, v16;
	v16 =	vor.u32 s14, v10;
	v19 =	vld [tilespmem:s8+$0x20]  }
0x7f: {  	v25 =	vor.u32 s2, v10;
	v20 =	vmul.f32 $8.000000000e+00, v20;
	v24 =	vld [tilespmem:s16+$0x90];
	[tilespmem:v17+s15+$0x0] =	vst.idx.msk $0xffff, v15  }
0x80: {  	v15 =	vmul.f32 $8.000000000e+00, v22;
	[tilespmem:v23+s15+$0x0] =	vst.idx.msk $0xffff, v13;
	v13 =	vor.u32 s13, v10;
	v22 =	vld [tilespmem:s8+$0xB0]  }
0x81: {  	v26 =	vor.u32 s18, v9;
	v23 =	vld [tilespmem:s16+$0xFFFFFF90];
	[tilespmem:v14+s15+$0x0] =	vst.idx.msk $0xffff, v20;
	v14 =	vmul.f32 $8.000000000e+00, v21  }
0x82: {  	v27 =	vor.u32 s11, v11;
	s11 =	smov.u32 s18;
	[tilespmem:v12+s15+$0x0] =	vst.idx.msk $0xffff, v15;
	v15 =	vld [tilespmem:s16+$0x10];
	v12 =	vmul.f32 $8.000000000e+00, v18  }
0x83: {  	v29 =	vor.u32 s20, v9;
	v28 =	vld [tilespmem:s16+$0xFFFFFF10];
	[tilespmem:v16+s15+$0x0] =	vst.idx.msk $0xffff, v14;
	v16 =	vmul.f32 $8.000000000e+00, v19  }
.Ltmp0:
0x84: {  	v20 =	vor.u32 s9, v9;
	v18 =	vmul.f32 $8.000000000e+00, v24;
	v14 =	vld [tilespmem:s8+$0xFFFFFF30];
	[tilespmem:v25+s15+$0x0] =	vst.idx.msk $0xffff, v12;
	(pc) =	sbr.rel @p1 .LBB2_3-.Ltmp0, $4  }
0x85: {  	v17 =	vor.u32 s17, v9;
	v12 =	vld [tilespmem:s8+$0xFFFFFFB0];
	[tilespmem:v13+s15+$0x0] =	vst.idx.msk $0xffff, v16;
	v19 =	vmul.f32 $8.000000000e+00, v22  }
0x86: {  	v16 =	vor.u32 s14, v11;
	s14 =	smov.u32 s17;
	v24 =	vmul.f32 $8.000000000e+00, v23;
	[tilespmem:v26+s15+$0x0] =	vst.idx.msk $0xffff, v18;
	v13 =	vld [tilespmem:s8+$0x30];
	s8 =	smov.u32 s16;
	s16 =	sadd.s32 $0x200, s16  }
0x87: {  	s17 =	smov.u32 s19;
	v18 =	vor.u32 s2, v11;
	s2 =	smov.u32 s20;
	v21 =	vld [tilespmem:s16+$0x80];
	v23 =	vmul.f32 $8.000000000e+00, v15;
	[tilespmem:v27+s15+$0x0] =	vst.idx.msk $0xffff, v19  }
0x88: {  	s19 =	sadd.s32 $0x4, s19;
	s18 =	sadd.s32 $0x3, s17;
	v19 =	vor.u32 s13, v11;
	s13 =	smov.u32 s9;
	v22 =	vmul.f32 $8.000000000e+00, v28;
	[tilespmem:v29+s15+$0x0] =	vst.idx.msk $0xffff, v24;
	v15 =	vld [tilespmem:s8+$0xA0]  }
0x89: {  	v24 =	vld [tilespmem:s16+$0xFFFFFF00]  }
0x8a: {  	v25 =	vld [tilespmem:s16+$0xFFFFFF80];
	v26 =	vor.u32 s18, v8  }
0x8b: {  	s9 =	sadd.s32 $0x1, s17;
	v27 =	vld [tilespmem:s16+$0x0];
	v28 =	vor.u32 s17, v8  }
0x8c: {  	s19 =	sadd.s32 $0x2, s17;
	v29 =	vor.u32 s9, v8  }
0x8d: {  	v30 =	vor.u32 s19, v8;
	v21 =	vmul.f32 $8.000000000e+00, v21  }
0x8e: {  	[tilespmem:v20+s15+$0x0] =	vst.idx.msk $0xffff, v23;
	v20 =	vmul.f32 $8.000000000e+00, v24  }
0x8f: {  	[tilespmem:v26+s15+$0x0] =	vst.idx.msk $0xffff, v21;
	v21 =	vmul.f32 $8.000000000e+00, v25  }
0x90: {  	v23 =	vld [tilespmem:s16+$0x90];
	[tilespmem:v28+s15+$0x0] =	vst.idx.msk $0xffff, v20;
	v20 =	vmul.f32 $8.000000000e+00, v27  }
0x91: {  	[tilespmem:v29+s15+$0x0] =	vst.idx.msk $0xffff, v21;
	v21 =	vld [tilespmem:s16+$0xFFFFFF10]  }
0x92: {  	v14 =	vmul.f32 $8.000000000e+00, v14;
	v53 =	vld [tilespmem:s16+$0xFFFFFF90];
	[tilespmem:v30+s15+$0x0] =	vst.idx.msk $0xffff, v20;
	v20 =	vor.u32 s18, v9  }
0x93: {  	[tilespmem:v17+s15+$0x0] =	vst.idx.msk $0xffff, v22;
	v12 =	vmul.f32 $8.000000000e+00, v12;
	v22 =	vor.u32 s17, v9;
	v17 =	vld [tilespmem:s16+$0x10]  }
0x94: {  	[tilespmem:v16+s15+$0x0] =	vst.idx.msk $0xffff, v14;
	v13 =	vmul.f32 $8.000000000e+00, v13;
	v14 =	vor.u32 s9, v9  }
0x95: {  	v16 =	vld [tilespmem:s8+$0xFFFFFF20];
	[tilespmem:v18+s15+$0x0] =	vst.idx.msk $0xffff, v12;
	v12 =	vor.u32 s19, v9;
	v18 =	vmul.f32 $8.000000000e+00, v23  }
0x96: {  	v54 =	vld [tilespmem:s8+$0xFFFFFFA0];
	[tilespmem:v19+s15+$0x0] =	vst.idx.msk $0xffff, v13;
	v23 =	vor.u32 s11, v10;
	v13 =	vmul.f32 $8.000000000e+00, v21  }
0x97: {  	v19 =	vor.u32 s14, v10;
	v21 =	vld [tilespmem:s8+$0x20];
	v24 =	vmul.f32 $8.000000000e+00, v53;
	[tilespmem:v20+s15+$0x0] =	vst.idx.msk $0xffff, v18  }
0x98: {  	v18 =	vor.u32 s2, v10;
	v17 =	vmul.f32 $8.000000000e+00, v17;
	v20 =	vld [tilespmem:s16+$0xA0];
	[tilespmem:v22+s15+$0x0] =	vst.idx.msk $0xffff, v13  }
0x99: {  	v13 =	vmul.f32 $8.000000000e+00, v15;
	v15 =	vor.u32 s13, v10;
	[tilespmem:v14+s15+$0x0] =	vst.idx.msk $0xffff, v24;
	v14 =	vld [tilespmem:s16+$0xFFFFFF20]  }
0x9a: {  	v16 =	vmul.f32 $8.000000000e+00, v16;
	[tilespmem:v12+s15+$0x0] =	vst.idx.msk $0xffff, v17;
	v12 =	vor.u32 s18, v10;
	v17 =	vld [tilespmem:s16+$0xFFFFFFA0]  }
0x9b: {  	v22 =	vor.u32 s17, v10;
	[tilespmem:v23+s15+$0x0] =	vst.idx.msk $0xffff, v13;
	v13 =	vmul.f32 $8.000000000e+00, v54;
	v23 =	vld [tilespmem:s16+$0x20]  }
0x9c: {  	[tilespmem:v19+s15+$0x0] =	vst.idx.msk $0xffff, v16;
	v19 =	vor.u32 s9, v10;
	v55 =	vld [tilespmem:s8+$0xB0];
	v16 =	vmul.f32 $8.000000000e+00, v21  }
0x9d: {  	v21 =	vld [tilespmem:s8+$0xFFFFFF30];
	[tilespmem:v18+s15+$0x0] =	vst.idx.msk $0xffff, v13;
	v18 =	vor.u32 s19, v10;
	v13 =	vmul.f32 $8.000000000e+00, v20  }
0x9e: {  	v20 =	vor.u32 s11, v11;
	v56 =	vld [tilespmem:s8+$0xFFFFFFB0];
	[tilespmem:v15+s15+$0x0] =	vst.idx.msk $0xffff, v16;
	v14 =	vmul.f32 $8.000000000e+00, v14  }
0x9f: {  	v15 =	vor.u32 s14, v11;
	v16 =	vld [tilespmem:s8+$0x30];
	[tilespmem:v12+s15+$0x0] =	vst.idx.msk $0xffff, v13;
	v12 =	vmul.f32 $8.000000000e+00, v17  }
0xa0: {  	v13 =	vor.u32 s2, v11;
	v17 =	vld [tilespmem:s16+$0xB0];
	[tilespmem:v22+s15+$0x0] =	vst.idx.msk $0xffff, v14;
	v14 =	vmul.f32 $8.000000000e+00, v23  }
0xa1: {  	v22 =	vmul.f32 $8.000000000e+00, v55;
	v23 =	vor.u32 s13, v11;
	v57 =	vld [tilespmem:s16+$0xFFFFFF30];
	[tilespmem:v19+s15+$0x0] =	vst.idx.msk $0xffff, v12  }
0xa2: {  	v12 =	vmul.f32 $8.000000000e+00, v21;
	v19 =	vor.u32 s18, v11;
	v21 =	vld [tilespmem:s16+$0xFFFFFFB0];
	[tilespmem:v18+s15+$0x0] =	vst.idx.msk $0xffff, v14  }
0xa3: {  	[tilespmem:v20+s15+$0x0] =	vst.idx.msk $0xffff, v22;
	v14 =	vmul.f32 $8.000000000e+00, v56;
	v18 =	vor.u32 s17, v11;
	v20 =	vld [tilespmem:s16+$0x30]  }
0xa4: {  	[tilespmem:v15+s15+$0x0] =	vst.idx.msk $0xffff, v12;
	v12 =	vmul.f32 $8.000000000e+00, v16;
	v15 =	vor.u32 s9, v11  }
0xa5: {  	[tilespmem:v13+s15+$0x0] =	vst.idx.msk $0xffff, v14;
	v14 =	vor.u32 s19, v11;
	v13 =	vmul.f32 $8.000000000e+00, v17  }
0xa6: {  	[tilespmem:v23+s15+$0x0] =	vst.idx.msk $0xffff, v12;
	v12 =	vmul.f32 $8.000000000e+00, v57  }
0xa7: {  	s9 =	sshll.u32 s5, $0x13;
	[tilespmem:v19+s15+$0x0] =	vst.idx.msk $0xffff, v13;
	v13 =	vmul.f32 $8.000000000e+00, v21  }
0xa8: {  	s2 =	sor.u32 s6, s9;
	[tilespmem:v18+s15+$0x0] =	vst.idx.msk $0xffff, v12;
	v12 =	vmul.f32 $8.000000000e+00, v20  }
0xa9: {  	s2 =	sshrl.u32 s2, $0x3;
	[tilespmem:v15+s15+$0x0] =	vst.idx.msk $0xffff, v13  }
0xaa: {  	s2 =	sadd.s32 s1, s2;
	[tilespmem:v14+s15+$0x0] =	vst.idx.msk $0xffff, v12  }
0xab: {  	[hbm4b:s2+s4] =	stream.linear.scatter [tilespmem:s15], [sflag:$0x3], $0x400, $0x38;
	[tilespmem:$0x16500] =	vst v63  }
0xac: {  	s13 =	simm.s32 $0xED00;
	s11 =	sadd.s32 $0x1000, s2  }
0xad: {  	[hbm4b:s11+s4] =	stream.linear.scatter [tilespmem:s13], [sflag:$0x3], $0x400, $0x38;
	[tilespmem:$0x16500] =	vst v63  }
0xae: {  	s16 =	simm.s32 $0xF500;
	s14 =	sadd.s32 $0x2000, s2  }
0xaf: {  	[hbm4b:s14+s4] =	stream.linear.scatter [tilespmem:s16], [sflag:$0x3], $0x400, $0x38;
	[tilespmem:$0x16500] =	vst v63  }
0xb0: {  	s18 =	simm.s32 $0xFD00;
	s17 =	sadd.s32 $0x3000, s2  }
0xb1: {  	[hbm4b:s17+s4] =	stream.linear.scatter [tilespmem:s18], [sflag:$0x3], $0x400, $0x38;
	[tilespmem:$0x16500] =	vst v63  }
0xb2: {  	s20 =	simm.s32 $0x10500;
	s19 =	sadd.s32 $0x4000, s2  }
0xb3: {  	[hbm4b:s19+s4] =	stream.linear.scatter [tilespmem:s20], [sflag:$0x3], $0x400, $0x38;
	[tilespmem:$0x16500] =	vst v63  }
0xb4: {  	p1 =	sgt.u32 s7, $0xC6;
	s11 =	sadd.s32 $0x5000, s2;
	s13 =	simm.s32 $0x10D00  }
0xb5: {  	v12 =	vlaneseq.u32 @!p1;
	[hbm4b:s11+s4] =	stream.linear.scatter [tilespmem:s13], [sflag:$0x3], $0x400, $0x38;
	[tilespmem:$0x16500] =	vst v63  }
0xb6: {  	s8 =	sadd.s32 @!p1 $0x2, s10;
	v12 =	vmul.u32 @!p1 $0xC8, v12;
	s14 =	sadd.s32 $0x6000, s2  }
0xb7: {  	[hbm4b:s14+s4] =	stream.linear.scatter [tilespmem:s21], [sflag:$0x3], $0x400, $0x38;
	[tilespmem:$0x16500] =	vst v63  }
0xb8: {  	v13 =	vadd.s32 @!p1 s8, v12;
	s2 =	sadd.s32 $0x7000, s2  }
0xb9: {  	[hbm4b:s2+s4] =	stream.linear.scatter [tilespmem:s22], [sflag:$0x3], $0x400, $0x38;
	[tilespmem:$0x16500] =	vst v63  }
0xba: {  	_ =	swait.ge [sflag:s23], $0x4000  }
0xbb: {  	[sflag:s23] =	ssyncset.done $0x0  }
0xbc: {  	s2 =	simm.s32 @!p1 $0x0;
	[sflag:s23] =	ssyncadd.s32 $0xFFFFC000  }
0xbd: {  	v14 =	vadd.s32 @!p1 $0xC80, v12;
	v13 =	vld.idx.msk @!p1 [tilespmem:v13+s2+$0x0], $0xffff  }
0xbe: {  	v14 =	vadd.s32 @!p1 s8, v14;
	_ =	sdelay $0x3  }
0xbf: {  	[tilespmem:$0x6400] =	vst @!p1 v13  }
0xc0: {  	v13 =	vld.idx.msk @!p1 [tilespmem:v14+s2+$0x0], $0xffff;
	v14 =	vadd.s32 @!p1 $0x1900, v12  }
0xc1: {  	v14 =	vadd.s32 @!p1 s8, v14;
	_ =	sdelay $0x3  }
0xc2: {  	[tilespmem:$0x6410] =	vst @!p1 v13  }
0xc3: {  	v13 =	vld.idx.msk @!p1 [tilespmem:v14+s2+$0x0], $0xffff;
	v14 =	vadd.s32 @!p1 $0x2580, v12  }
0xc4: {  	v14 =	vadd.s32 @!p1 s8, v14;
	_ =	sdelay $0x3  }
0xc5: {  	[tilespmem:$0x6420] =	vst @!p1 v13  }
0xc6: {  	v13 =	vld.idx.msk @!p1 [tilespmem:v14+s2+$0x0], $0xffff;
	v14 =	vadd.s32 @!p1 $0x3200, v12  }
0xc7: {  	v14 =	vadd.s32 @!p1 s8, v14;
	_ =	sdelay $0x3  }
0xc8: {  	[tilespmem:$0x6430] =	vst @!p1 v13  }
0xc9: {  	v13 =	vld.idx.msk @!p1 [tilespmem:v14+s2+$0x0], $0xffff;
	v14 =	vadd.s32 @!p1 $0x3E80, v12  }
0xca: {  	v14 =	vadd.s32 @!p1 s8, v14;
	_ =	sdelay $0x3  }
0xcb: {  	[tilespmem:$0x6440] =	vst @!p1 v13  }
0xcc: {  	v13 =	vld.idx.msk @!p1 [tilespmem:v14+s2+$0x0], $0xffff;
	v14 =	vadd.s32 @!p1 $0x4B00, v12  }
0xcd: {  	v14 =	vadd.s32 @!p1 s8, v14;
	_ =	sdelay $0x3  }
0xce: {  	[tilespmem:$0x6450] =	vst @!p1 v13  }
0xcf: {  	v12 =	vadd.s32 @!p1 $0x5780, v12;
	v13 =	vld.idx.msk @!p1 [tilespmem:v14+s2+$0x0], $0xffff  }
0xd0: {  	v12 =	vadd.s32 @!p1 s8, v12;
	_ =	sdelay $0x3  }
0xd1: {  	[tilespmem:$0x6460] =	vst @!p1 v13  }
0xd2: {  	v12 =	vld.idx.msk @!p1 [tilespmem:v12+s2+$0x0], $0xffff;
	_ =	sdelay $0x4  }
0xd3: {  	s9 =	simm.s32 @!p1 $0x6500;
	s8 =	simm.s32 @!p1 $0x6400;
	s2 =	simm.s32 @!p1 $0x80;
	[tilespmem:$0x6470] =	vst @!p1 v12  }
0xd4: {  	[tilespmem:s9], [sflag:$0x1] =	stream.indirect.gather @!p1 [hbm4b:s0+s2], $0x80, s8, s2, $0xb8;
	[tilespmem:$0x16500] =	vst v63  }
0xd5: {  	s2 =	simm.s32 @!p0 $0x4  }
0xd6: {  	_ =	swait.ge @!p0 [sflag:s2], $0x2000  }
0xd7: {  	[sflag:s2] =	ssyncset.done @!p0 $0x0  }
0xd8: {  	s16 =	simm.s32 $0xA600;
	[sflag:s2] =	ssyncadd.s32 @!p0 $0xFFFFE000  }
0xd9: {  	v12 =	vld [tilespmem:s16+$0x80]  }
0xda: {  	s17 =	simm.s32 $0x3  }
0xdb: {  	v13 =	vor.u32 s17, v8  }
0xdc: {  	v14 =	vld [tilespmem:s16+$0xFFFFFF00]  }
0xdd: {  	s18 =	simm.s32 $0x0  }
0xde: {  	v17 =	vor.u32 s18, v8;
	v15 =	vld [tilespmem:s16+$0xFFFFFF80];
	v12 =	vmul.f32 $8.000000000e+00, v12  }
0xdf: {  	s19 =	simm.s32 $0x1;
	v16 =	vld [tilespmem:s16+$0x0]  }
0xe0: {  	s20 =	simm.s32 $0x2;
	v18 =	vor.u32 s19, v8;
	[tilespmem:v13+s24+$0x0] =	vst.idx.msk $0xffff, v12  }
0xe1: {  	v14 =	vmul.f32 $8.000000000e+00, v14;
	v12 =	vor.u32 s20, v8;
	v13 =	vld [tilespmem:s16+$0x90];
	_ =	sdelay $0x1  }
0xe2: {  	v19 =	vor.u32 s17, v9;
	v15 =	vmul.f32 $8.000000000e+00, v15;
	[tilespmem:v17+s24+$0x0] =	vst.idx.msk $0xffff, v14  }
0xe3: {  	v16 =	vmul.f32 $8.000000000e+00, v16;
	v14 =	vld [tilespmem:s16+$0xFFFFFF10]  }
0xe4: {  	[tilespmem:v18+s24+$0x0] =	vst.idx.msk $0xffff, v15  }
0xe5: {  	v15 =	vld [tilespmem:s16+$0xFFFFFF90];
	[tilespmem:v12+s24+$0x0] =	vst.idx.msk $0xffff, v16;
	v16 =	vor.u32 s18, v9;
	v12 =	vmul.f32 $8.000000000e+00, v13  }
0xe6: {  	s8 =	simm.s32 $0xA800;
	v13 =	vld [tilespmem:s16+$0x10]  }
0xe7: {  	v17 =	vor.u32 s19, v9;
	[tilespmem:v19+s24+$0x0] =	vst.idx.msk $0xffff, v12;
	v12 =	vld [tilespmem:s8+$0x80]  }
0xe8: {  	s10 =	simm.s32 $0x7;
	v20 =	vld [tilespmem:s8+$0xFFFFFF80];
	v18 =	vor.u32 s20, v9;
	v14 =	vmul.f32 $8.000000000e+00, v14  }
0xe9: {  	v21 =	vor.u32 s10, v8;
	s2 =	simm.s32 $0x5;
	v19 =	vld [tilespmem:s16+$0xA0]  }
0xea: {  	v22 =	vld [tilespmem:s8+$0x0];
	v15 =	vmul.f32 $8.000000000e+00, v15;
	[tilespmem:v16+s24+$0x0] =	vst.idx.msk $0xffff, v14;
	v16 =	vor.u32 s2, v8  }
0xeb: {  	v23 =	vor.u32 s17, v10;
	s11 =	simm.s32 $0x6;
	v14 =	vld [tilespmem:s8+$0xFFFFFF00];
	v13 =	vmul.f32 $8.000000000e+00, v13  }
0xec: {  	s13 =	simm.s32 $0x4;
	[tilespmem:v17+s24+$0x0] =	vst.idx.msk $0xffff, v15;
	v15 =	vor.u32 s11, v8;
	v17 =	vld [tilespmem:s16+$0xFFFFFF20];
	v12 =	vmul.f32 $8.000000000e+00, v12  }
0xed: {  	v20 =	vmul.f32 $8.000000000e+00, v20;
	[tilespmem:v18+s24+$0x0] =	vst.idx.msk $0xffff, v13;
	v13 =	vor.u32 s13, v8;
	v18 =	vld [tilespmem:s16+$0xFFFFFFA0]  }
0xee: {  	v19 =	vmul.f32 $8.000000000e+00, v19;
	[tilespmem:v21+s24+$0x0] =	vst.idx.msk $0xffff, v12;
	v12 =	vor.u32 s18, v10;
	v21 =	vld [tilespmem:s16+$0x20]  }
0xef: {  	v59 =	vor.u32 s19, v10;
	v22 =	vmul.f32 $8.000000000e+00, v22;
	[tilespmem:v16+s24+$0x0] =	vst.idx.msk $0xffff, v20;
	v58 =	vld [tilespmem:s8+$0x90]  }
0xf0: {  	v14 =	vmul.f32 $8.000000000e+00, v14;
	v16 =	vor.u32 s20, v10;
	[tilespmem:v23+s24+$0x0] =	vst.idx.msk $0xffff, v19;
	v23 =	vld [tilespmem:s8+$0xFFFFFF90]  }
0xf1: {  	[tilespmem:v15+s24+$0x0] =	vst.idx.msk $0xffff, v22;
	v15 =	vor.u32 s10, v9;
	v17 =	vmul.f32 $8.000000000e+00, v17;
	v19 =	vld [tilespmem:s16+$0xB0]  }
0xf2: {  	v62 =	vor.u32 s2, v9;
	v60 =	vld [tilespmem:s8+$0x10];
	[tilespmem:v13+s24+$0x0] =	vst.idx.msk $0xffff, v14;
	v13 =	vmul.f32 $8.000000000e+00, v18  }
0xf3: {  	v22 =	vor.u32 s17, v11;
	v61 =	vld [tilespmem:s8+$0xFFFFFF10];
	[tilespmem:v12+s24+$0x0] =	vst.idx.msk $0xffff, v17;
	v17 =	vmul.f32 $8.000000000e+00, v21  }
0xf4: {  	v20 =	vor.u32 s11, v9;
	[tilespmem:v59+s24+$0x0] =	vst.idx.msk $0xffff, v13;
	v18 =	vmul.f32 $8.000000000e+00, v58;
	v14 =	vld [tilespmem:s16+$0xFFFFFF30]  }
0xf5: {  	v12 =	vld [tilespmem:s16+$0xFFFFFFB0];
	v63 =	vmul.f32 $8.000000000e+00, v23;
	[tilespmem:v16+s24+$0x0] =	vst.idx.msk $0xffff, v17;
	v17 =	vor.u32 s13, v9  }
0xf6: {  	s14 =	simm.s32 $0xAA00;
	v19 =	vmul.f32 $8.000000000e+00, v19;
	v16 =	vor.u32 s18, v11;
	[tilespmem:v15+s24+$0x0] =	vst.idx.msk $0xffff, v18;
	v13 =	vld [tilespmem:s16+$0x30]  }
0xf7: {  	v21 =	vld [tilespmem:s14+$0x80];
	v23 =	vmul.f32 $8.000000000e+00, v60;
	v18 =	vor.u32 s19, v11;
	[tilespmem:v62+s24+$0x0] =	vst.idx.msk $0xffff, v63  }
0xf8: {  	s17 =	simm.s32 $0xB;
	s18 =	simm.s32 $0xC;
	s16 =	simm.s32 $0x8;
	[tilespmem:v22+s24+$0x0] =	vst.idx.msk $0xffff, v19;
	v19 =	vor.u32 s20, v11;
	v22 =	vmul.f32 $8.000000000e+00, v61;
	v15 =	vld [tilespmem:s8+$0xA0]  }
.LBB2_5:
0xf9: {  	p0 =	slt.u32 s18, $0x7C;
	v24 =	vld [tilespmem:s14+$0xFFFFFF80];
	v25 =	vor.u32 s17, v8;
	[tilespmem:v20+s24+$0x0] =	vst.idx.msk $0xffff, v23;
	v14 =	vmul.f32 $8.000000000e+00, v14  }
0xfa: {  	s19 =	sadd.s32 $0x1, s16;
	v20 =	vld [tilespmem:s14+$0x0];
	[tilespmem:v17+s24+$0x0] =	vst.idx.msk $0xffff, v22;
	v17 =	vor.u32 s10, v10;
	v12 =	vmul.f32 $8.000000000e+00, v12  }
0xfb: {  	s9 =	sadd.s32 $0x2, s16;
	v23 =	vor.u32 s19, v8;
	v22 =	vld [tilespmem:s14+$0xFFFFFF00];
	[tilespmem:v16+s24+$0x0] =	vst.idx.msk $0xffff, v14;
	v13 =	vmul.f32 $8.000000000e+00, v13  }
0xfc: {  	v14 =	vor.u32 s9, v8;
	v16 =	vmul.f32 $8.000000000e+00, v21;
	v21 =	vld [tilespmem:s8+$0xFFFFFF20];
	[tilespmem:v18+s24+$0x0] =	vst.idx.msk $0xffff, v12  }
0xfd: {  	v12 =	vor.u32 s16, v8;
	v18 =	vld [tilespmem:s8+$0xFFFFFFA0];
	v15 =	vmul.f32 $8.000000000e+00, v15;
	[tilespmem:v19+s24+$0x0] =	vst.idx.msk $0xffff, v13  }
0xfe: {  	v13 =	vmul.f32 $8.000000000e+00, v24;
	[tilespmem:v25+s24+$0x0] =	vst.idx.msk $0xffff, v16;
	v16 =	vor.u32 s13, v10;
	v19 =	vld [tilespmem:s8+$0x20]  }
0xff: {  	v25 =	vor.u32 s2, v10;
	v20 =	vmul.f32 $8.000000000e+00, v20;
	v24 =	vld [tilespmem:s14+$0x90];
	[tilespmem:v17+s24+$0x0] =	vst.idx.msk $0xffff, v15  }
0x100: {  	v15 =	vmul.f32 $8.000000000e+00, v22;
	[tilespmem:v23+s24+$0x0] =	vst.idx.msk $0xffff, v13;
	v13 =	vor.u32 s11, v10;
	v22 =	vld [tilespmem:s8+$0xB0]  }
0x101: {  	v26 =	vor.u32 s17, v9;
	v23 =	vld [tilespmem:s14+$0xFFFFFF90];
	[tilespmem:v14+s24+$0x0] =	vst.idx.msk $0xffff, v20;
	v14 =	vmul.f32 $8.000000000e+00, v21  }
0x102: {  	v27 =	vor.u32 s10, v11;
	s10 =	smov.u32 s17;
	[tilespmem:v12+s24+$0x0] =	vst.idx.msk $0xffff, v15;
	v15 =	vld [tilespmem:s14+$0x10];
	v12 =	vmul.f32 $8.000000000e+00, v18  }
0x103: {  	v29 =	vor.u32 s19, v9;
	v28 =	vld [tilespmem:s14+$0xFFFFFF10];
	[tilespmem:v16+s24+$0x0] =	vst.idx.msk $0xffff, v14;
	v16 =	vmul.f32 $8.000000000e+00, v19  }
.Ltmp1:
0x104: {  	v20 =	vor.u32 s9, v9;
	v18 =	vmul.f32 $8.000000000e+00, v24;
	v14 =	vld [tilespmem:s8+$0xFFFFFF30];
	[tilespmem:v25+s24+$0x0] =	vst.idx.msk $0xffff, v12;
	(pc) =	sbr.rel @p0 .LBB2_5-.Ltmp1, $4  }
0x105: {  	v17 =	vor.u32 s16, v9;
	v12 =	vld [tilespmem:s8+$0xFFFFFFB0];
	[tilespmem:v13+s24+$0x0] =	vst.idx.msk $0xffff, v16;
	v19 =	vmul.f32 $8.000000000e+00, v22  }
0x106: {  	v16 =	vor.u32 s13, v11;
	s13 =	smov.u32 s16;
	v24 =	vmul.f32 $8.000000000e+00, v23;
	[tilespmem:v26+s24+$0x0] =	vst.idx.msk $0xffff, v18;
	v13 =	vld [tilespmem:s8+$0x30];
	s8 =	smov.u32 s14;
	s14 =	sadd.s32 $0x200, s14  }
0x107: {  	s16 =	smov.u32 s18;
	v18 =	vor.u32 s2, v11;
	s2 =	smov.u32 s19;
	v21 =	vld [tilespmem:s14+$0x80];
	v23 =	vmul.f32 $8.000000000e+00, v15;
	[tilespmem:v27+s24+$0x0] =	vst.idx.msk $0xffff, v19  }
0x108: {  	s18 =	sadd.s32 $0x4, s18;
	s17 =	sadd.s32 $0x3, s16;
	v19 =	vor.u32 s11, v11;
	s11 =	smov.u32 s9;
	v22 =	vmul.f32 $8.000000000e+00, v28;
	[tilespmem:v29+s24+$0x0] =	vst.idx.msk $0xffff, v24;
	v15 =	vld [tilespmem:s8+$0xA0]  }
0x109: {  	v24 =	vld [tilespmem:s14+$0xFFFFFF00]  }
0x10a: {  	v25 =	vld [tilespmem:s14+$0xFFFFFF80];
	v26 =	vor.u32 s17, v8  }
0x10b: {  	s9 =	sadd.s32 $0x1, s16;
	v27 =	vld [tilespmem:s14+$0x0];
	v28 =	vor.u32 s16, v8  }
0x10c: {  	s18 =	sadd.s32 $0x2, s16;
	v29 =	vor.u32 s9, v8  }
0x10d: {  	v30 =	vor.u32 s18, v8;
	v21 =	vmul.f32 $8.000000000e+00, v21  }
0x10e: {  	[tilespmem:v20+s24+$0x0] =	vst.idx.msk $0xffff, v23;
	v45 =	vmul.f32 $8.000000000e+00, v24  }
0x10f: {  	[tilespmem:v26+s24+$0x0] =	vst.idx.msk $0xffff, v21;
	v46 =	vmul.f32 $8.000000000e+00, v25  }
0x110: {  	v47 =	vmul.f32 $8.000000000e+00, v27;
	v48 =	vld [tilespmem:s14+$0x90];
	[tilespmem:v28+s24+$0x0] =	vst.idx.msk $0xffff, v45  }
0x111: {  	[tilespmem:v29+s24+$0x0] =	vst.idx.msk $0xffff, v46;
	v49 =	vld [tilespmem:s14+$0xFFFFFF10]  }
0x112: {  	v14 =	vmul.f32 $8.000000000e+00, v14;
	v51 =	vor.u32 s17, v9;
	[tilespmem:v30+s24+$0x0] =	vst.idx.msk $0xffff, v47;
	v50 =	vld [tilespmem:s14+$0xFFFFFF90]  }
0x113: {  	v53 =	vor.u32 s16, v9;
	[tilespmem:v17+s24+$0x0] =	vst.idx.msk $0xffff, v22;
	v12 =	vmul.f32 $8.000000000e+00, v12;
	v52 =	vld [tilespmem:s14+$0x10]  }
0x114: {  	v54 =	vor.u32 s9, v9;
	[tilespmem:v16+s24+$0x0] =	vst.idx.msk $0xffff, v14;
	v13 =	vmul.f32 $8.000000000e+00, v13  }
0x115: {  	v56 =	vor.u32 s18, v9;
	v55 =	vld [tilespmem:s8+$0xFFFFFF20];
	[tilespmem:v18+s24+$0x0] =	vst.idx.msk $0xffff, v12;
	v57 =	vmul.f32 $8.000000000e+00, v48  }
0x116: {  	v58 =	vor.u32 s10, v10;
	v59 =	vld [tilespmem:s8+$0xFFFFFFA0];
	[tilespmem:v19+s24+$0x0] =	vst.idx.msk $0xffff, v13;
	v60 =	vmul.f32 $8.000000000e+00, v49  }
0x117: {  	v61 =	vor.u32 s13, v10;
	v62 =	vld [tilespmem:s8+$0x20];
	v24 =	vmul.f32 $8.000000000e+00, v50;
	[tilespmem:v51+s24+$0x0] =	vst.idx.msk $0xffff, v57  }
0x118: {  	v63 =	vor.u32 s2, v10;
	v17 =	vmul.f32 $8.000000000e+00, v52;
	v20 =	vld [tilespmem:s14+$0xA0];
	[tilespmem:v53+s24+$0x0] =	vst.idx.msk $0xffff, v60  }
0x119: {  	v27 =	vmul.f32 $8.000000000e+00, v15;
	v28 =	vor.u32 s11, v10;
	[tilespmem:v54+s24+$0x0] =	vst.idx.msk $0xffff, v24;
	v29 =	vld [tilespmem:s14+$0xFFFFFF20]  }
0x11a: {  	v16 =	vmul.f32 $8.000000000e+00, v55;
	v30 =	vor.u32 s17, v10;
	[tilespmem:v56+s24+$0x0] =	vst.idx.msk $0xffff, v17;
	v31 =	vld [tilespmem:s14+$0xFFFFFFA0]  }
0x11b: {  	v33 =	vor.u32 s16, v10;
	v32 =	vmul.f32 $8.000000000e+00, v59;
	[tilespmem:v58+s24+$0x0] =	vst.idx.msk $0xffff, v27;
	v34 =	vld [tilespmem:s14+$0x20]  }
0x11c: {  	v37 =	vor.u32 s9, v10;
	v36 =	vmul.f32 $8.000000000e+00, v62;
	v35 =	vld [tilespmem:s8+$0xB0];
	[tilespmem:v61+s24+$0x0] =	vst.idx.msk $0xffff, v16  }
0x11d: {  	v40 =	vor.u32 s18, v10;
	[tilespmem:v63+s24+$0x0] =	vst.idx.msk $0xffff, v32;
	v38 =	vld [tilespmem:s8+$0xFFFFFF30];
	v39 =	vmul.f32 $8.000000000e+00, v20  }
0x11e: {  	v41 =	vor.u32 s10, v11;
	v42 =	vld [tilespmem:s8+$0xFFFFFFB0];
	[tilespmem:v28+s24+$0x0] =	vst.idx.msk $0xffff, v36;
	v14 =	vmul.f32 $8.000000000e+00, v29  }
0x11f: {  	v43 =	vor.u32 s13, v11;
	v16 =	vld [tilespmem:s8+$0x30];
	[tilespmem:v30+s24+$0x0] =	vst.idx.msk $0xffff, v39;
	v44 =	vmul.f32 $8.000000000e+00, v31  }
0x120: {  	v45 =	vor.u32 s2, v11;
	v47 =	vmul.f32 $8.000000000e+00, v34;
	v46 =	vld [tilespmem:s14+$0xB0];
	[tilespmem:v33+s24+$0x0] =	vst.idx.msk $0xffff, v14  }
0x121: {  	v48 =	vmul.f32 $8.000000000e+00, v35;
	v49 =	vor.u32 s11, v11;
	[tilespmem:v37+s24+$0x0] =	vst.idx.msk $0xffff, v44;
	v50 =	vld [tilespmem:s14+$0xFFFFFF30]  }
0x122: {  	v52 =	vor.u32 s17, v11;
	v51 =	vmul.f32 $8.000000000e+00, v38;
	[tilespmem:v40+s24+$0x0] =	vst.idx.msk $0xffff, v47;
	v53 =	vld [tilespmem:s14+$0xFFFFFFB0]  }
0x123: {  	v55 =	vor.u32 s16, v11;
	[tilespmem:v41+s24+$0x0] =	vst.idx.msk $0xffff, v48;
	v54 =	vmul.f32 $8.000000000e+00, v42;
	v56 =	vld [tilespmem:s14+$0x30]  }
0x124: {  	v58 =	vor.u32 s9, v11;
	[tilespmem:v43+s24+$0x0] =	vst.idx.msk $0xffff, v51;
	v57 =	vmul.f32 $8.000000000e+00, v16  }
0x125: {  	v60 =	vor.u32 s18, v11;
	[tilespmem:v45+s24+$0x0] =	vst.idx.msk $0xffff, v54;
	v59 =	vmul.f32 $8.000000000e+00, v46  }
0x126: {  	[tilespmem:v49+s24+$0x0] =	vst.idx.msk $0xffff, v57;
	v61 =	vmul.f32 $8.000000000e+00, v50  }
0x127: {  	s13 =	sshll.u32 s7, $0x12;
	[tilespmem:v52+s24+$0x0] =	vst.idx.msk $0xffff, v59;
	v62 =	vmul.f32 $8.000000000e+00, v53  }
0x128: {  	s2 =	sor.u32 s6, s13;
	v63 =	vmul.f32 $8.000000000e+00, v56;
	[tilespmem:v55+s24+$0x0] =	vst.idx.msk $0xffff, v61  }
0x129: {  	s2 =	sshrl.u32 s2, $0x3;
	[tilespmem:v58+s24+$0x0] =	vst.idx.msk $0xffff, v62  }
0x12a: {  	s2 =	sadd.s32 s1, s2;
	[tilespmem:v60+s24+$0x0] =	vst.idx.msk $0xffff, v63  }
0x12b: {  	[hbm4b:s2+s4] =	stream.linear.scatter [tilespmem:s24], [sflag:$0x4], $0x400, $0x38;
	[tilespmem:$0x16500] =	vst v63  }
0x12c: {  	s14 =	sadd.s32 $0x1000, s2  }
0x12d: {  	[hbm4b:s14+s4] =	stream.linear.scatter [tilespmem:s25], [sflag:$0x4], $0x400, $0x38;
	[tilespmem:$0x16500] =	vst v63  }
0x12e: {  	s16 =	sadd.s32 $0x2000, s2  }
0x12f: {  	[hbm4b:s16+s4] =	stream.linear.scatter [tilespmem:s26], [sflag:$0x4], $0x400, $0x38;
	[tilespmem:$0x16500] =	vst v63  }
0x130: {  	s17 =	sadd.s32 $0x3000, s2  }
0x131: {  	[hbm4b:s17+s4] =	stream.linear.scatter [tilespmem:s28], [sflag:$0x4], $0x400, $0x38;
	[tilespmem:$0x16500] =	vst v63  }
0x132: {  	s5 =	sadd.s32 $0x1, s5;
	s18 =	sadd.s32 $0x4000, s2  }
0x133: {  	[hbm4b:s18+s4] =	stream.linear.scatter [tilespmem:s29], [sflag:$0x4], $0x400, $0x38;
	[tilespmem:$0x16500] =	vst v63  }
0x134: {  	p0 =	sne.s32 s5, $0x64;
	s19 =	sadd.s32 $0x5000, s2  }
0x135: {  	[hbm4b:s19+s4] =	stream.linear.scatter [tilespmem:s30], [sflag:$0x4], $0x400, $0x38;
	[tilespmem:$0x16500] =	vst v63  }
.Ltmp2:
0x136: {  	_ = 	snop;
	(pc) =	sbr.rel @p0 .LBB2_2-.Ltmp2, $4  }
0x137: {  	s20 =	sadd.s32 $0x6000, s2  }
0x138: {  	[hbm4b:s20+s4] =	stream.linear.scatter [tilespmem:s31], [sflag:$0x4], $0x400, $0x38;
	[tilespmem:$0x16500] =	vst v63  }
0x139: {  	s2 =	sadd.s32 $0x7000, s2  }
0x13a: {  	[hbm4b:s2+s4] =	stream.linear.scatter [tilespmem:s3], [sflag:$0x4], $0x400, $0x38;
	[tilespmem:$0x16500] =	vst v63  }
0x13b: {  	s2 =	simm.s32 $0x3  }
0x13c: {  	_ =	swait.ge [sflag:s2], $0x2000  }
0x13d: {  	[sflag:s2] =	ssyncset.done $0x0  }
0x13e: {  	s5 =	simm.s32 $0x4;
	[sflag:s2] =	ssyncadd.s32 $0xFFFFE000  }
0x13f: {  	_ =	swait.ge [sflag:s5], $0x2000  }
0x140: {  	s7 =	rddreg [dreg:$0x6]  }
0x141: {  	s20 =	rddreg [dreg:$0x5];
	s7 =	sadd.s32 $0x1, s7  }
0x142: {  	p0 =	sne.s32 s7, s20  }
.Ltmp3:
0x143: {  	_ = 	snop;
	(pc) =	sbr.rel @p0 .LBB2_1-.Ltmp3, $3  }
0x144: {  	_ =	sdelay $0x1  }
0x145: {  	[sflag:s5] =	ssyncset.done $0x0  }
0x146: {  	[sflag:s5] =	ssyncadd.s32 $0xFFFFE000  }
0x147: {  	_ =	sfence.sel $0x180000  }
0x148: {  	[bflag:$0x0] =	sbarrier.arrive $0xFFFF  }
0x149: {  	_ =	strace $0x90000047  }
0x14a: {  	s0 =	stileid.u32;
	[bflag:$0x2] =	sbarrier.arrive $0xFFFF  }
0x14b: {  	p0 =	sne.s32 s0, $0x0;
	s0 =	rddreg [dreg:$0x3]  }
0x14c: {  	s0 =	sadd.s32 @!p0 $0x100000, s0  }
0x14d: {  	[sflag:s0] =	ssyncadd.tile.s32 @!p0 $0x1;
	_ =	shalt  }
.Lfunc_end2:
_tile_overlayer_lowered:
.L_overlay_start_2:
0x14e: {  	(tag) =	ssettag $0x2  }
0x14f: {  	s0 =	rddreg [dreg:$0x0];
	s2 =	stileid.u32  }
0x150: {  	s1 =	rddreg [dreg:$0x1];
	p0 =	sne.s32 s2, $0x0  }
0x151: {  	s3 =	rddreg [dreg:$0x2];
	[bflag:$0x3] =	sbarrier.arrive $0xFFFF;
	s2 =	simm.s32 @!p0 $0x1C05  }
0x152: {  	[timem:s3], [sflag:s2] =	dma.local @!p0 [hbm:s0], s1  }
0x153: {  	s0 =	simm.s32 @!p0 $0x5  }
0x154: {  	_ =	swait.ge @!p0 [sflag:s0], s1  }
0x155: {  	s1 =	ssub.s32 @!p0 $0x0, s1;
	[sflag:s0] =	ssyncset.done @!p0 $0x0  }
0x156: {  	[sflag:s0] =	ssyncadd.s32 @!p0 s1  }
0x157: {  	[bflag:$0x3] =	sbarrier.arrive $0xFFFF  }
0x158: {  	_ =	shalt  }

</sc_bundles>
